<compile_context>
chip_gen: v7x
topology: tpu7x:2x2x1
jax: 0.10.2.dev20260603
libtpu: 0.0.44.dev20260713+nightly
codegen_flags: <defaults>
</compile_context>

<pallas_src>
import functools

import jax
import jax.numpy as jnp
from jax import lax
from jax.experimental import pallas as pl
from jax.experimental.pallas import tpu as pltpu
from jax.experimental.pallas import tpu_sc as plsc

_B = 8
_S = 512
_D = 512
_MAX_REL = 32
_VOCAB = 2 * _MAX_REL + 1
_NC = 2
_NS = 16
_NW = _NC * _NS
_ROWS = _S // _NW
_L = 16
_NCH = _D // _L


def _sc_body(x_hbm, pe_hbm, out_hbm, pe_v, pe64_v, rowpe_v, xa, xb,
             sin_a, sin_b, sout_a, sout_b):
    wid = lax.axis_index("s") * _NC + lax.axis_index("c")
    base = wid * _ROWS

    pltpu.sync_copy(pe_hbm, pe_v)

    @plsc.parallel_loop(0, _NCH, unroll=8)
    def _save64(c):
        sl = pl.ds(c * _L, _L)
        pe64_v[0, sl] = pe_v[_VOCAB - 1, sl]

    def _cum_m(m, carry):
        @plsc.parallel_loop(0, _NCH, unroll=8)
        def _cum_c(c):
            sl = pl.ds(c * _L, _L)
            pe_v[m, sl] = pe_v[m, sl] + pe_v[m - 1, sl]

        return carry

    lax.fori_loop(1, _VOCAB, _cum_m, 0)

    inv = jnp.float32(1.0 / _S)

    def _row_t(t, carry):
        i = base + t
        a = jnp.maximum(_S - _MAX_REL - i, 0).astype(jnp.float32)
        b = jnp.maximum(i - (_MAX_REL - 1), 0).astype(jnp.float32)
        hi = jnp.minimum(i + _MAX_REL, _VOCAB - 2)
        lo = jnp.maximum(i - (_S - _MAX_REL), 0)

        @plsc.parallel_loop(0, _NCH, unroll=8)
        def _row_c(c):
            sl = pl.ds(c * _L, _L)
            val = (
                a * pe_v[0, sl]
                + b * pe64_v[0, sl]
                + pe_v[hi, sl]
                - pe_v[lo, sl]
            ) * inv
            rowpe_v[t, sl] = val

        return carry

    lax.fori_loop(0, _ROWS, _row_t, 0)

    def _add_into(buf):
        @plsc.parallel_loop(0, _ROWS * _NCH, unroll=8)
        def _add_q(q):
            t = q // _NCH
            sl = pl.ds((q % _NCH) * _L, _L)
            buf[t, sl] = buf[t, sl] + rowpe_v[t, sl]

    bufs = [(xa, sin_a, sout_a), (xb, sin_b, sout_b)]
    ins = [None] * _B
    outs = [None] * _B
    ins[0] = pltpu.async_copy(x_hbm.at[0, pl.ds(base, _ROWS)], xa, sin_a)
    for b_i in range(_B):
        buf, _, sout = bufs[b_i % 2]
        nbuf, nsin, _ = bufs[(b_i + 1) % 2]
        if b_i + 1 < _B:
            if b_i >= 1:
                outs[b_i - 1].wait()
            ins[b_i + 1] = pltpu.async_copy(
                x_hbm.at[b_i + 1, pl.ds(base, _ROWS)], nbuf, nsin)
        ins[b_i].wait()
        _add_into(buf)
        outs[b_i] = pltpu.async_copy(
            buf, out_hbm.at[b_i, pl.ds(base, _ROWS)], sout)
    outs[_B - 1].wait()


@jax.jit
def kernel(x, pe):
    b, s, d = x.shape
    mesh = plsc.VectorSubcoreMesh(
        core_axis_name="c", subcore_axis_name="s",
        num_cores=_NC, num_subcores=_NS,
    )
    sc_call = pl.kernel(
        _sc_body,
        out_type=jax.ShapeDtypeStruct((b, s, d), jnp.float32),
        mesh=mesh,
        scratch_types=[
            pltpu.VMEM((_VOCAB, d), jnp.float32),
            pltpu.VMEM((1, d), jnp.float32),
            pltpu.VMEM((_ROWS, d), jnp.float32),
            pltpu.VMEM((_ROWS, d), jnp.float32),
            pltpu.VMEM((_ROWS, d), jnp.float32),
            pltpu.SemaphoreType.DMA,
            pltpu.SemaphoreType.DMA,
            pltpu.SemaphoreType.DMA,
            pltpu.SemaphoreType.DMA,
        ],
        compiler_params=pltpu.CompilerParams(use_tc_tiling_on_sc=True),
    )
    return sc_call(x, pe)

# --- scband reference (transcript-rebuilt; emitter-appended) ---
"""Pipeline reference for scband-relative-position-encoding-20779051778070 (READ-ONLY COPY).

The authoritative reference and input builder live on the scoring server;
editing this copy changes nothing except your own understanding.
"""

import jax, jax.numpy as jnp
import numpy as np

B, S, D = 8, 512, 512
MAX_REL = 32


def _build_pe(dim_model, max_relative_position):
    vocab = 2 * max_relative_position + 1
    pe = np.zeros((vocab, dim_model), dtype=np.float32)
    rel_pos = np.arange(vocab, dtype=np.float64) - max_relative_position
    i2 = np.arange(0, dim_model, 2, dtype=np.float64)
    angles = rel_pos[:, None] / (10000.0 ** (i2 / dim_model))[None, :]
    pe[:, 0::2] = np.sin(angles).astype(np.float32)
    n_odd = pe[:, 1::2].shape[1]
    pe[:, 1::2] = np.cos(angles).astype(np.float32)[:, :n_odd]
    return jnp.asarray(pe)


def setup_inputs(seed: int = 0) -> dict:
    key = jax.random.key(seed)
    x = jax.random.normal(key, (B, S, D), dtype=jnp.float32)
    pe = _build_pe(D, MAX_REL)
    return {"x": x, "pe": pe}


def reference(x, pe):
    batch_size, seq_len, _ = x.shape
    positions = jnp.arange(seq_len)
    relative_positions = positions[:, None] - positions[None, :]
    relative_positions = jnp.clip(relative_positions, -MAX_REL, MAX_REL)
    relative_positions = relative_positions + MAX_REL
    rel_pe = jnp.take(pe, relative_positions, axis=0)  # [S, S, D] gather
    rel_pe_aggregated = rel_pe.mean(axis=1)  # [S, D]
    rel_pe_aggregated = jnp.broadcast_to(rel_pe_aggregated[None, :, :], (batch_size, seq_len, pe.shape[1]))
    return x + rel_pe_aggregated

if __name__ == "__main__":
    import jax
    _d = setup_inputs()
    print(jax.jit(kernel)(*tuple(_d.values())))

</pallas_src>

<mosaic_0001>
#map = affine_map<(d0, d1) -> (0, 0, 0)>
#map1 = affine_map<(d0, d1) -> (0, 0)>
module attributes {stable_mosaic.version = 14 : i64} {
  func.func @_sc_body(%arg0: i32, %arg1: i32, %arg2: memref<8x512x512xf32, #tpu.memory_space<hbm>>, %arg3: memref<65x512xf32, #tpu.memory_space<hbm>>, %arg4: memref<8x512x512xf32, #tpu.memory_space<hbm>>, %arg5: memref<65x512xf32, #tpu.memory_space<vmem>>, %arg6: memref<1x512xf32, #tpu.memory_space<vmem>>, %arg7: memref<16x512xf32, #tpu.memory_space<vmem>>, %arg8: memref<16x512xf32, #tpu.memory_space<vmem>>, %arg9: memref<16x512xf32, #tpu.memory_space<vmem>>, %arg10: memref<!tpu.dma_semaphore, #tpu.memory_space<semaphore_mem>>, %arg11: memref<!tpu.dma_semaphore, #tpu.memory_space<semaphore_mem>>, %arg12: memref<!tpu.dma_semaphore, #tpu.memory_space<semaphore_mem>>, %arg13: memref<!tpu.dma_semaphore, #tpu.memory_space<semaphore_mem>>) attributes {dimension_semantics = [#tpu.dimension_semantics<core_parallel>, #tpu.dimension_semantics<subcore_parallel>], iteration_bounds = array<i64: 2, 16>, scalar_prefetch = 0 : i64, scratch_operands = 9 : i64, tpu.core_type = #tpu.core_type<sc_vector_subcore>, window_params = [{transform_indices = #map}, {transform_indices = #map1}, {transform_indices = #map}]} {
    %mul3A = arith.constant 2 : i32
    %mul3A_0 = arith.muli %arg1, %mul3A : i32
    %add3A = arith.addi %mul3A_0, %arg0 : i32
    %mul3A_1 = arith.constant 16 : i32
    %mul3A_2 = arith.muli %add3A, %mul3A_1 : i32
    "tpu.region"() ({
      %run_scoped3A = tpu.sem_alloc : memref<!tpu.dma_semaphore, #tpu.memory_space<semaphore_mem>>
      tpu.enqueue_dma source(%arg3 : memref<65x512xf32, #tpu.memory_space<hbm>>) target(%arg5 : memref<65x512xf32, #tpu.memory_space<vmem>>) target_semaphore(%run_scoped3A : memref<!tpu.dma_semaphore, #tpu.memory_space<semaphore_mem>>)
      tpu.wait_dma2 semaphore(%run_scoped3A : memref<!tpu.dma_semaphore, #tpu.memory_space<semaphore_mem>>) src(%arg3 : memref<65x512xf32, #tpu.memory_space<hbm>>) dst(%arg5 : memref<65x512xf32, #tpu.memory_space<vmem>>)
      tpu.yield
    }) : () -> ()
    %parallel_loop3A = arith.constant 0 : i32
    %parallel_loop3A_3 = arith.constant 32 : i32
    %parallel_loop3A_4 = arith.constant 1 : i32
    scf.for %parallel_loop3A_256 = %parallel_loop3A to %parallel_loop3A_3 step %parallel_loop3A_4  : i32 {
      %parallel_loop3A_257 = arith.constant 16 : i32
      %parallel_loop3A_258 = arith.muli %parallel_loop3A_256, %parallel_loop3A_257 : i32
      %parallel_loop3A_259 = arith.constant 64 : i32
      %parallel_loop3A_260 = arith.index_cast %parallel_loop3A_259 : i32 to index
      %parallel_loop3A_261 = arith.index_cast %parallel_loop3A_258 : i32 to index
      %parallel_loop3A_262 = tpu.vector_load %arg5[%parallel_loop3A_260, %parallel_loop3A_261] {strides = array<i32>} : memref<65x512xf32, #tpu.memory_space<vmem>>, vector<1x16xf32>,
      %parallel_loop3A_263 = vector.shape_cast %parallel_loop3A_262 : vector<1x16xf32> to vector<16xf32>
      %parallel_loop3A_264 = arith.constant 0 : i32
      %parallel_loop3A_265 = arith.index_cast %parallel_loop3A_264 : i32 to index
      %parallel_loop3A_266 = arith.index_cast %parallel_loop3A_258 : i32 to index
      %parallel_loop3A_267 = tpu.vector_load %arg6[%parallel_loop3A_265, %parallel_loop3A_266] {strides = array<i32>} : memref<1x512xf32, #tpu.memory_space<vmem>>, vector<1x16xf32>,
      %parallel_loop3A_268 = vector.shape_cast %parallel_loop3A_267 : vector<1x16xf32> to vector<16xf32>
      %parallel_loop3A_269 = vector.shape_cast %parallel_loop3A_263 : vector<16xf32> to vector<1x16xf32>
      tpu.vector_store %arg6[%parallel_loop3A_265, %parallel_loop3A_266], %parallel_loop3A_269 {strides = array<i32>} : memref<1x512xf32, #tpu.memory_space<vmem>>, vector<1x16xf32>,
    } {sc.loop_unroll_factor = 8 : i64, sc.parallel_access}
    %scan3A = arith.constant 0 : i32
    %scan3A_5 = arith.constant 1 : i32
    %scan3A_6 = arith.constant 64 : i32
    %scan3A_7 = arith.addi %scan3A_5, %scan3A_6 : i32
    %scan3A_8 = arith.constant 1 : i32
    scf.for %scan3A_256 = %scan3A_5 to %scan3A_7 step %scan3A_8  : i32 {
      %parallel_loop3A_257 = arith.constant 0 : i32
      %parallel_loop3A_258 = arith.constant 32 : i32
      %parallel_loop3A_259 = arith.constant 1 : i32
      scf.for %parallel_loop3A_260 = %parallel_loop3A_257 to %parallel_loop3A_258 step %parallel_loop3A_259  : i32 {
        %parallel_loop3A_261 = arith.constant 16 : i32
        %parallel_loop3A_262 = arith.muli %parallel_loop3A_260, %parallel_loop3A_261 : i32
        %parallel_loop3A_263 = arith.index_cast %scan3A_256 : i32 to index
        %parallel_loop3A_264 = arith.index_cast %parallel_loop3A_262 : i32 to index
        %parallel_loop3A_265 = tpu.vector_load %arg5[%parallel_loop3A_263, %parallel_loop3A_264] {strides = array<i32>} : memref<65x512xf32, #tpu.memory_space<vmem>>, vector<1x16xf32>,
        %parallel_loop3A_266 = vector.shape_cast %parallel_loop3A_265 : vector<1x16xf32> to vector<16xf32>
        %parallel_loop3A_267 = arith.constant 1 : i32
        %parallel_loop3A_268 = arith.subi %scan3A_256, %parallel_loop3A_267 : i32
        %parallel_loop3A_269 = arith.index_cast %parallel_loop3A_268 : i32 to index
        %parallel_loop3A_270 = arith.index_cast %parallel_loop3A_262 : i32 to index
        %parallel_loop3A_271 = tpu.vector_load %arg5[%parallel_loop3A_269, %parallel_loop3A_270] {strides = array<i32>} : memref<65x512xf32, #tpu.memory_space<vmem>>, vector<1x16xf32>,
        %parallel_loop3A_272 = vector.shape_cast %parallel_loop3A_271 : vector<1x16xf32> to vector<16xf32>
        %parallel_loop3A_273 = arith.addf %parallel_loop3A_266, %parallel_loop3A_272 : vector<16xf32>
        %parallel_loop3A_274 = arith.index_cast %scan3A_256 : i32 to index
        %parallel_loop3A_275 = arith.index_cast %parallel_loop3A_262 : i32 to index
        %parallel_loop3A_276 = tpu.vector_load %arg5[%parallel_loop3A_274, %parallel_loop3A_275] {strides = array<i32>} : memref<65x512xf32, #tpu.memory_space<vmem>>, vector<1x16xf32>,
        %parallel_loop3A_277 = vector.shape_cast %parallel_loop3A_276 : vector<1x16xf32> to vector<16xf32>
        %parallel_loop3A_278 = vector.shape_cast %parallel_loop3A_273 : vector<16xf32> to vector<1x16xf32>
        tpu.vector_store %arg5[%parallel_loop3A_274, %parallel_loop3A_275], %parallel_loop3A_278 {strides = array<i32>} : memref<65x512xf32, #tpu.memory_space<vmem>>, vector<1x16xf32>,
      } {sc.loop_unroll_factor = 8 : i64, sc.parallel_access}
    }
    %scan3A_9 = arith.constant 64 : i32
    %scan3A_10 = arith.constant 0 : i32
    %scan3A_11 = arith.constant 0.001953125 : f32
    %scan3A_12 = arith.constant 0 : i32
    %scan3A_13 = arith.constant 16 : i32
    %scan3A_14 = arith.addi %scan3A_12, %scan3A_13 : i32
    %scan3A_15 = arith.constant 1 : i32
    scf.for %scan3A_256 = %scan3A_12 to %scan3A_14 step %scan3A_15  : i32 {
      %add3A_257 = arith.addi %mul3A_2, %scan3A_256 : i32
      %sub3A = arith.constant 480 : i32
      %sub3A_258 = arith.subi %sub3A, %add3A_257 : i32
      %max3A = arith.constant 0 : i32
      %max3A_259 = arith.maxsi %sub3A_258, %max3A : i32
      %convert_element_type3A = arith.sitofp %max3A_259 : i32 to f32
      %sub3A_260 = arith.constant 31 : i32
      %sub3A_261 = arith.subi %add3A_257, %sub3A_260 : i32
      %max3A_262 = arith.constant 0 : i32
      %max3A_263 = arith.maxsi %sub3A_261, %max3A_262 : i32
      %convert_element_type3A_264 = arith.sitofp %max3A_263 : i32 to f32
      %add3A_265 = arith.constant 32 : i32
      %add3A_266 = arith.addi %add3A_257, %add3A_265 : i32
      %min3A = arith.constant 63 : i32
      %min3A_267 = arith.minsi %add3A_266, %min3A : i32
      %sub3A_268 = arith.constant 480 : i32
      %sub3A_269 = arith.subi %add3A_257, %sub3A_268 : i32
      %max3A_270 = arith.constant 0 : i32
      %max3A_271 = arith.maxsi %sub3A_269, %max3A_270 : i32
      %parallel_loop3A_272 = arith.constant 0 : i32
      %parallel_loop3A_273 = arith.constant 32 : i32
      %parallel_loop3A_274 = arith.constant 1 : i32
      scf.for %parallel_loop3A_275 = %parallel_loop3A_272 to %parallel_loop3A_273 step %parallel_loop3A_274  : i32 {
        %parallel_loop3A_276 = arith.constant 16 : i32
        %parallel_loop3A_277 = arith.muli %parallel_loop3A_275, %parallel_loop3A_276 : i32
        %parallel_loop3A_278 = arith.constant 0 : i32
        %parallel_loop3A_279 = arith.index_cast %parallel_loop3A_278 : i32 to index
        %parallel_loop3A_280 = arith.index_cast %parallel_loop3A_277 : i32 to index
        %parallel_loop3A_281 = tpu.vector_load %arg5[%parallel_loop3A_279, %parallel_loop3A_280] {strides = array<i32>} : memref<65x512xf32, #tpu.memory_space<vmem>>, vector<1x16xf32>,
        %parallel_loop3A_282 = vector.shape_cast %parallel_loop3A_281 : vector<1x16xf32> to vector<16xf32>
        %parallel_loop3A_283 = vector.broadcast %convert_element_type3A : f32 to vector<16xf32>
        %parallel_loop3A_284 = arith.mulf %parallel_loop3A_283, %parallel_loop3A_282 : vector<16xf32>
        %parallel_loop3A_285 = arith.constant 0 : i32
        %parallel_loop3A_286 = arith.index_cast %parallel_loop3A_285 : i32 to index
        %parallel_loop3A_287 = arith.index_cast %parallel_loop3A_277 : i32 to index
        %parallel_loop3A_288 = tpu.vector_load %arg6[%parallel_loop3A_286, %parallel_loop3A_287] {strides = array<i32>} : memref<1x512xf32, #tpu.memory_space<vmem>>, vector<1x16xf32>,
        %parallel_loop3A_289 = vector.shape_cast %parallel_loop3A_288 : vector<1x16xf32> to vector<16xf32>
        %parallel_loop3A_290 = vector.broadcast %convert_element_type3A_264 : f32 to vector<16xf32>
        %parallel_loop3A_291 = arith.mulf %parallel_loop3A_290, %parallel_loop3A_289 : vector<16xf32>
        %parallel_loop3A_292 = arith.addf %parallel_loop3A_284, %parallel_loop3A_291 : vector<16xf32>
        %parallel_loop3A_293 = arith.index_cast %min3A_267 : i32 to index
        %parallel_loop3A_294 = arith.index_cast %parallel_loop3A_277 : i32 to index
        %parallel_loop3A_295 = tpu.vector_load %arg5[%parallel_loop3A_293, %parallel_loop3A_294] {strides = array<i32>} : memref<65x512xf32, #tpu.memory_space<vmem>>, vector<1x16xf32>,
        %parallel_loop3A_296 = vector.shape_cast %parallel_loop3A_295 : vector<1x16xf32> to vector<16xf32>
        %parallel_loop3A_297 = arith.addf %parallel_loop3A_292, %parallel_loop3A_296 : vector<16xf32>
        %parallel_loop3A_298 = arith.index_cast %max3A_271 : i32 to index
        %parallel_loop3A_299 = arith.index_cast %parallel_loop3A_277 : i32 to index
        %parallel_loop3A_300 = tpu.vector_load %arg5[%parallel_loop3A_298, %parallel_loop3A_299] {strides = array<i32>} : memref<65x512xf32, #tpu.memory_space<vmem>>, vector<1x16xf32>,
        %parallel_loop3A_301 = vector.shape_cast %parallel_loop3A_300 : vector<1x16xf32> to vector<16xf32>
        %parallel_loop3A_302 = arith.subf %parallel_loop3A_297, %parallel_loop3A_301 : vector<16xf32>
        %parallel_loop3A_303 = vector.broadcast %scan3A_11 : f32 to vector<16xf32>
        %parallel_loop3A_304 = arith.mulf %parallel_loop3A_302, %parallel_loop3A_303 : vector<16xf32>
        %parallel_loop3A_305 = arith.index_cast %scan3A_256 : i32 to index
        %parallel_loop3A_306 = arith.index_cast %parallel_loop3A_277 : i32 to index
        %parallel_loop3A_307 = tpu.vector_load %arg7[%parallel_loop3A_305, %parallel_loop3A_306] {strides = array<i32>} : memref<16x512xf32, #tpu.memory_space<vmem>>, vector<1x16xf32>,
        %parallel_loop3A_308 = vector.shape_cast %parallel_loop3A_307 : vector<1x16xf32> to vector<16xf32>
        %parallel_loop3A_309 = vector.shape_cast %parallel_loop3A_304 : vector<16xf32> to vector<1x16xf32>
        tpu.vector_store %arg7[%parallel_loop3A_305, %parallel_loop3A_306], %parallel_loop3A_309 {strides = array<i32>} : memref<16x512xf32, #tpu.memory_space<vmem>>, vector<1x16xf32>,
      } {sc.loop_unroll_factor = 8 : i64, sc.parallel_access}
    }
    %scan3A_16 = arith.constant 16 : i32
    %dma_start3A = arith.constant 0 : i32
    %dma_start3A_17 = arith.constant 0 : i32
    %dma_start3A_18 = tpu.memref_slice %arg2[%dma_start3A, %mul3A_2, %dma_start3A_17] : memref<8x512x512xf32, #tpu.memory_space<hbm>> -> memref<1x16x512xf32, #tpu.memory_space<hbm>>
    %dma_start3A_19 = tpu.memref_squeeze %dma_start3A_18 : memref<1x16x512xf32, #tpu.memory_space<hbm>> -> memref<16x512xf32, #tpu.memory_space<hbm>>
    %dma_start3A_20 = arith.constant 0 : i32
    %dma_start3A_21 = tpu.memref_slice %arg2[%dma_start3A, %mul3A_2, %dma_start3A_20] : memref<8x512x512xf32, #tpu.memory_space<hbm>> -> memref<1x16x512xf32, #tpu.memory_space<hbm>>
    %dma_start3A_22 = tpu.memref_squeeze %dma_start3A_21 : memref<1x16x512xf32, #tpu.memory_space<hbm>> -> memref<16x512xf32, #tpu.memory_space<hbm>>
    tpu.enqueue_dma source(%dma_start3A_22 : memref<16x512xf32, #tpu.memory_space<hbm>>) target(%arg8 : memref<16x512xf32, #tpu.memory_space<vmem>>) target_semaphore(%arg10 : memref<!tpu.dma_semaphore, #tpu.memory_space<semaphore_mem>>)
    %dma_start3A_23 = arith.constant 1 : i32
    %dma_start3A_24 = arith.constant 0 : i32
    %dma_start3A_25 = tpu.memref_slice %arg2[%dma_start3A_23, %mul3A_2, %dma_start3A_24] : memref<8x512x512xf32, #tpu.memory_space<hbm>> -> memref<1x16x512xf32, #tpu.memory_space<hbm>>
    %dma_start3A_26 = tpu.memref_squeeze %dma_start3A_25 : memref<1x16x512xf32, #tpu.memory_space<hbm>> -> memref<16x512xf32, #tpu.memory_space<hbm>>
    %dma_start3A_27 = arith.constant 0 : i32
    %dma_start3A_28 = tpu.memref_slice %arg2[%dma_start3A_23, %mul3A_2, %dma_start3A_27] : memref<8x512x512xf32, #tpu.memory_space<hbm>> -> memref<1x16x512xf32, #tpu.memory_space<hbm>>
    %dma_start3A_29 = tpu.memref_squeeze %dma_start3A_28 : memref<1x16x512xf32, #tpu.memory_space<hbm>> -> memref<16x512xf32, #tpu.memory_space<hbm>>
    tpu.enqueue_dma source(%dma_start3A_29 : memref<16x512xf32, #tpu.memory_space<hbm>>) target(%arg9 : memref<16x512xf32, #tpu.memory_space<vmem>>) target_semaphore(%arg11 : memref<!tpu.dma_semaphore, #tpu.memory_space<semaphore_mem>>)
    %dma_wait3A = arith.constant 0 : i32
    %dma_wait3A_30 = arith.constant 0 : i32
    %dma_wait3A_31 = tpu.memref_slice %arg2[%dma_wait3A, %mul3A_2, %dma_wait3A_30] : memref<8x512x512xf32, #tpu.memory_space<hbm>> -> memref<1x16x512xf32, #tpu.memory_space<hbm>>
    %dma_wait3A_32 = tpu.memref_squeeze %dma_wait3A_31 : memref<1x16x512xf32, #tpu.memory_space<hbm>> -> memref<16x512xf32, #tpu.memory_space<hbm>>
    %dma_wait3A_33 = arith.constant 0 : i32
    %dma_wait3A_34 = tpu.memref_slice %arg2[%dma_wait3A, %mul3A_2, %dma_wait3A_33] : memref<8x512x512xf32, #tpu.memory_space<hbm>> -> memref<1x16x512xf32, #tpu.memory_space<hbm>>
    %dma_wait3A_35 = tpu.memref_squeeze %dma_wait3A_34 : memref<1x16x512xf32, #tpu.memory_space<hbm>> -> memref<16x512xf32, #tpu.memory_space<hbm>>
    tpu.wait_dma2 semaphore(%arg10 : memref<!tpu.dma_semaphore, #tpu.memory_space<semaphore_mem>>) src(%dma_wait3A_35 : memref<16x512xf32, #tpu.memory_space<hbm>>) dst(%arg8 : memref<16x512xf32, #tpu.memory_space<vmem>>)
    %parallel_loop3A_36 = arith.constant 0 : i32
    %parallel_loop3A_37 = arith.constant 512 : i32
    %parallel_loop3A_38 = arith.constant 1 : i32
    scf.for %parallel_loop3A_256 = %parallel_loop3A_36 to %parallel_loop3A_37 step %parallel_loop3A_38  : i32 {
      %parallel_loop3A_257 = arith.constant 32 : i32
      %parallel_loop3A_258 = arith.divsi %parallel_loop3A_256, %parallel_loop3A_257 : i32
      %parallel_loop3A_259 = arith.constant 0 : i32
      %parallel_loop3A_260 = arith.cmpi sgt, %parallel_loop3A_256, %parallel_loop3A_259 : i32
      %parallel_loop3A_261 = arith.extui %parallel_loop3A_260 : i1 to i32
      %parallel_loop3A_262 = arith.constant 0 : i32
      %parallel_loop3A_263 = arith.cmpi slt, %parallel_loop3A_256, %parallel_loop3A_262 : i32
      %parallel_loop3A_264 = arith.extui %parallel_loop3A_263 : i1 to i32
      %parallel_loop3A_265 = arith.subi %parallel_loop3A_261, %parallel_loop3A_264 : i32
      %parallel_loop3A_266 = arith.constant 0 : i32
      %parallel_loop3A_267 = arith.cmpi sgt, %parallel_loop3A_257, %parallel_loop3A_266 : i32
      %parallel_loop3A_268 = arith.extui %parallel_loop3A_267 : i1 to i32
      %parallel_loop3A_269 = arith.constant 0 : i32
      %parallel_loop3A_270 = arith.cmpi slt, %parallel_loop3A_257, %parallel_loop3A_269 : i32
      %parallel_loop3A_271 = arith.extui %parallel_loop3A_270 : i1 to i32
      %parallel_loop3A_272 = arith.subi %parallel_loop3A_268, %parallel_loop3A_271 : i32
      %parallel_loop3A_273 = arith.cmpi ne, %parallel_loop3A_265, %parallel_loop3A_272 : i32
      %parallel_loop3A_274 = arith.remsi %parallel_loop3A_256, %parallel_loop3A_257 : i32
      %parallel_loop3A_275 = arith.constant 0 : i32
      %parallel_loop3A_276 = arith.cmpi ne, %parallel_loop3A_274, %parallel_loop3A_275 : i32
      %parallel_loop3A_277 = arith.andi %parallel_loop3A_273, %parallel_loop3A_276 : i1
      %parallel_loop3A_278 = arith.constant 1 : i32
      %parallel_loop3A_279 = arith.subi %parallel_loop3A_258, %parallel_loop3A_278 : i32
      %parallel_loop3A_280 = arith.select %parallel_loop3A_277, %parallel_loop3A_279, %parallel_loop3A_258 : i32
      %parallel_loop3A_281 = arith.constant 32 : i32
      %parallel_loop3A_282 = arith.constant 0 : i32
      %parallel_loop3A_283 = arith.cmpi eq, %parallel_loop3A_281, %parallel_loop3A_282 : i32
      %parallel_loop3A_284 = arith.constant 1 : i32
      %parallel_loop3A_285 = arith.select %parallel_loop3A_283, %parallel_loop3A_284, %parallel_loop3A_281 : i32
      %parallel_loop3A_286 = arith.remsi %parallel_loop3A_256, %parallel_loop3A_285 : i32
      %parallel_loop3A_287 = arith.constant 0 : i32
      %parallel_loop3A_288 = arith.cmpi ne, %parallel_loop3A_286, %parallel_loop3A_287 : i32
      %parallel_loop3A_289 = arith.constant 0 : i32
      %parallel_loop3A_290 = arith.cmpi slt, %parallel_loop3A_286, %parallel_loop3A_289 : i32
      %parallel_loop3A_291 = arith.constant 0 : i32
      %parallel_loop3A_292 = arith.cmpi slt, %parallel_loop3A_285, %parallel_loop3A_291 : i32
      %parallel_loop3A_293 = arith.xori %parallel_loop3A_290, %parallel_loop3A_292 : i1
      %parallel_loop3A_294 = arith.andi %parallel_loop3A_293, %parallel_loop3A_288 : i1
      %parallel_loop3A_295 = arith.addi %parallel_loop3A_286, %parallel_loop3A_285 : i32
      %parallel_loop3A_296 = arith.select %parallel_loop3A_294, %parallel_loop3A_295, %parallel_loop3A_286 : i32
      %parallel_loop3A_297 = arith.constant 16 : i32
      %parallel_loop3A_298 = arith.muli %parallel_loop3A_296, %parallel_loop3A_297 : i32
      %parallel_loop3A_299 = arith.index_cast %parallel_loop3A_280 : i32 to index
      %parallel_loop3A_300 = arith.index_cast %parallel_loop3A_298 : i32 to index
      %parallel_loop3A_301 = tpu.vector_load %arg8[%parallel_loop3A_299, %parallel_loop3A_300] {strides = array<i32>} : memref<16x512xf32, #tpu.memory_space<vmem>>, vector<1x16xf32>,
      %parallel_loop3A_302 = vector.shape_cast %parallel_loop3A_301 : vector<1x16xf32> to vector<16xf32>
      %parallel_loop3A_303 = arith.index_cast %parallel_loop3A_280 : i32 to index
      %parallel_loop3A_304 = arith.index_cast %parallel_loop3A_298 : i32 to index
      %parallel_loop3A_305 = tpu.vector_load %arg7[%parallel_loop3A_303, %parallel_loop3A_304] {strides = array<i32>} : memref<16x512xf32, #tpu.memory_space<vmem>>, vector<1x16xf32>,
      %parallel_loop3A_306 = vector.shape_cast %parallel_loop3A_305 : vector<1x16xf32> to vector<16xf32>
      %parallel_loop3A_307 = arith.addf %parallel_loop3A_302, %parallel_loop3A_306 : vector<16xf32>
      %parallel_loop3A_308 = arith.index_cast %parallel_loop3A_280 : i32 to index
      %parallel_loop3A_309 = arith.index_cast %parallel_loop3A_298 : i32 to index
      %parallel_loop3A_310 = tpu.vector_load %arg8[%parallel_loop3A_308, %parallel_loop3A_309] {strides = array<i32>} : memref<16x512xf32, #tpu.memory_space<vmem>>, vector<1x16xf32>,
      %parallel_loop3A_311 = vector.shape_cast %parallel_loop3A_310 : vector<1x16xf32> to vector<16xf32>
      %parallel_loop3A_312 = vector.shape_cast %parallel_loop3A_307 : vector<16xf32> to vector<1x16xf32>
      tpu.vector_store %arg8[%parallel_loop3A_308, %parallel_loop3A_309], %parallel_loop3A_312 {strides = array<i32>} : memref<16x512xf32, #tpu.memory_space<vmem>>, vector<1x16xf32>,
    } {sc.loop_unroll_factor = 8 : i64, sc.parallel_access}
    %dma_start3A_39 = arith.constant 0 : i32
    %dma_start3A_40 = arith.constant 0 : i32
    %dma_start3A_41 = tpu.memref_slice %arg4[%dma_start3A_39, %mul3A_2, %dma_start3A_40] : memref<8x512x512xf32, #tpu.memory_space<hbm>> -> memref<1x16x512xf32, #tpu.memory_space<hbm>>
    %dma_start3A_42 = tpu.memref_squeeze %dma_start3A_41 : memref<1x16x512xf32, #tpu.memory_space<hbm>> -> memref<16x512xf32, #tpu.memory_space<hbm>>
    %dma_start3A_43 = arith.constant 0 : i32
    %dma_start3A_44 = tpu.memref_slice %arg4[%dma_start3A_39, %mul3A_2, %dma_start3A_43] : memref<8x512x512xf32, #tpu.memory_space<hbm>> -> memref<1x16x512xf32, #tpu.memory_space<hbm>>
    %dma_start3A_45 = tpu.memref_squeeze %dma_start3A_44 : memref<1x16x512xf32, #tpu.memory_space<hbm>> -> memref<16x512xf32, #tpu.memory_space<hbm>>
    tpu.enqueue_dma source(%arg8 : memref<16x512xf32, #tpu.memory_space<vmem>>) target(%dma_start3A_45 : memref<16x512xf32, #tpu.memory_space<hbm>>) target_semaphore(%arg12 : memref<!tpu.dma_semaphore, #tpu.memory_space<semaphore_mem>>)
    %dma_wait3A_46 = arith.constant 0 : i32
    %dma_wait3A_47 = arith.constant 0 : i32
    %dma_wait3A_48 = tpu.memref_slice %arg4[%dma_wait3A_46, %mul3A_2, %dma_wait3A_47] : memref<8x512x512xf32, #tpu.memory_space<hbm>> -> memref<1x16x512xf32, #tpu.memory_space<hbm>>
    %dma_wait3A_49 = tpu.memref_squeeze %dma_wait3A_48 : memref<1x16x512xf32, #tpu.memory_space<hbm>> -> memref<16x512xf32, #tpu.memory_space<hbm>>
    %dma_wait3A_50 = arith.constant 0 : i32
    %dma_wait3A_51 = tpu.memref_slice %arg4[%dma_wait3A_46, %mul3A_2, %dma_wait3A_50] : memref<8x512x512xf32, #tpu.memory_space<hbm>> -> memref<1x16x512xf32, #tpu.memory_space<hbm>>
    %dma_wait3A_52 = tpu.memref_squeeze %dma_wait3A_51 : memref<1x16x512xf32, #tpu.memory_space<hbm>> -> memref<16x512xf32, #tpu.memory_space<hbm>>
    tpu.wait_dma2 semaphore(%arg12 : memref<!tpu.dma_semaphore, #tpu.memory_space<semaphore_mem>>) src(%arg8 : memref<16x512xf32, #tpu.memory_space<vmem>>) dst(%dma_wait3A_52 : memref<16x512xf32, #tpu.memory_space<hbm>>)
    %dma_start3A_53 = arith.constant 2 : i32
    %dma_start3A_54 = arith.constant 0 : i32
    %dma_start3A_55 = tpu.memref_slice %arg2[%dma_start3A_53, %mul3A_2, %dma_start3A_54] : memref<8x512x512xf32, #tpu.memory_space<hbm>> -> memref<1x16x512xf32, #tpu.memory_space<hbm>>
    %dma_start3A_56 = tpu.memref_squeeze %dma_start3A_55 : memref<1x16x512xf32, #tpu.memory_space<hbm>> -> memref<16x512xf32, #tpu.memory_space<hbm>>
    %dma_start3A_57 = arith.constant 0 : i32
    %dma_start3A_58 = tpu.memref_slice %arg2[%dma_start3A_53, %mul3A_2, %dma_start3A_57] : memref<8x512x512xf32, #tpu.memory_space<hbm>> -> memref<1x16x512xf32, #tpu.memory_space<hbm>>
    %dma_start3A_59 = tpu.memref_squeeze %dma_start3A_58 : memref<1x16x512xf32, #tpu.memory_space<hbm>> -> memref<16x512xf32, #tpu.memory_space<hbm>>
    tpu.enqueue_dma source(%dma_start3A_59 : memref<16x512xf32, #tpu.memory_space<hbm>>) target(%arg8 : memref<16x512xf32, #tpu.memory_space<vmem>>) target_semaphore(%arg10 : memref<!tpu.dma_semaphore, #tpu.memory_space<semaphore_mem>>)
    %dma_wait3A_60 = arith.constant 1 : i32
    %dma_wait3A_61 = arith.constant 0 : i32
    %dma_wait3A_62 = tpu.memref_slice %arg2[%dma_wait3A_60, %mul3A_2, %dma_wait3A_61] : memref<8x512x512xf32, #tpu.memory_space<hbm>> -> memref<1x16x512xf32, #tpu.memory_space<hbm>>
    %dma_wait3A_63 = tpu.memref_squeeze %dma_wait3A_62 : memref<1x16x512xf32, #tpu.memory_space<hbm>> -> memref<16x512xf32, #tpu.memory_space<hbm>>
    %dma_wait3A_64 = arith.constant 0 : i32
    %dma_wait3A_65 = tpu.memref_slice %arg2[%dma_wait3A_60, %mul3A_2, %dma_wait3A_64] : memref<8x512x512xf32, #tpu.memory_space<hbm>> -> memref<1x16x512xf32, #tpu.memory_space<hbm>>
    %dma_wait3A_66 = tpu.memref_squeeze %dma_wait3A_65 : memref<1x16x512xf32, #tpu.memory_space<hbm>> -> memref<16x512xf32, #tpu.memory_space<hbm>>
    tpu.wait_dma2 semaphore(%arg11 : memref<!tpu.dma_semaphore, #tpu.memory_space<semaphore_mem>>) src(%dma_wait3A_66 : memref<16x512xf32, #tpu.memory_space<hbm>>) dst(%arg9 : memref<16x512xf32, #tpu.memory_space<vmem>>)
    %parallel_loop3A_67 = arith.constant 0 : i32
    %parallel_loop3A_68 = arith.constant 512 : i32
    %parallel_loop3A_69 = arith.constant 1 : i32
    scf.for %parallel_loop3A_256 = %parallel_loop3A_67 to %parallel_loop3A_68 step %parallel_loop3A_69  : i32 {
      %parallel_loop3A_257 = arith.constant 32 : i32
      %parallel_loop3A_258 = arith.divsi %parallel_loop3A_256, %parallel_loop3A_257 : i32
      %parallel_loop3A_259 = arith.constant 0 : i32
      %parallel_loop3A_260 = arith.cmpi sgt, %parallel_loop3A_256, %parallel_loop3A_259 : i32
      %parallel_loop3A_261 = arith.extui %parallel_loop3A_260 : i1 to i32
      %parallel_loop3A_262 = arith.constant 0 : i32
      %parallel_loop3A_263 = arith.cmpi slt, %parallel_loop3A_256, %parallel_loop3A_262 : i32
      %parallel_loop3A_264 = arith.extui %parallel_loop3A_263 : i1 to i32
      %parallel_loop3A_265 = arith.subi %parallel_loop3A_261, %parallel_loop3A_264 : i32
      %parallel_loop3A_266 = arith.constant 0 : i32
      %parallel_loop3A_267 = arith.cmpi sgt, %parallel_loop3A_257, %parallel_loop3A_266 : i32
      %parallel_loop3A_268 = arith.extui %parallel_loop3A_267 : i1 to i32
      %parallel_loop3A_269 = arith.constant 0 : i32
      %parallel_loop3A_270 = arith.cmpi slt, %parallel_loop3A_257, %parallel_loop3A_269 : i32
      %parallel_loop3A_271 = arith.extui %parallel_loop3A_270 : i1 to i32
      %parallel_loop3A_272 = arith.subi %parallel_loop3A_268, %parallel_loop3A_271 : i32
      %parallel_loop3A_273 = arith.cmpi ne, %parallel_loop3A_265, %parallel_loop3A_272 : i32
      %parallel_loop3A_274 = arith.remsi %parallel_loop3A_256, %parallel_loop3A_257 : i32
      %parallel_loop3A_275 = arith.constant 0 : i32
      %parallel_loop3A_276 = arith.cmpi ne, %parallel_loop3A_274, %parallel_loop3A_275 : i32
      %parallel_loop3A_277 = arith.andi %parallel_loop3A_273, %parallel_loop3A_276 : i1
      %parallel_loop3A_278 = arith.constant 1 : i32
      %parallel_loop3A_279 = arith.subi %parallel_loop3A_258, %parallel_loop3A_278 : i32
      %parallel_loop3A_280 = arith.select %parallel_loop3A_277, %parallel_loop3A_279, %parallel_loop3A_258 : i32
      %parallel_loop3A_281 = arith.constant 32 : i32
      %parallel_loop3A_282 = arith.constant 0 : i32
      %parallel_loop3A_283 = arith.cmpi eq, %parallel_loop3A_281, %parallel_loop3A_282 : i32
      %parallel_loop3A_284 = arith.constant 1 : i32
      %parallel_loop3A_285 = arith.select %parallel_loop3A_283, %parallel_loop3A_284, %parallel_loop3A_281 : i32
      %parallel_loop3A_286 = arith.remsi %parallel_loop3A_256, %parallel_loop3A_285 : i32
      %parallel_loop3A_287 = arith.constant 0 : i32
      %parallel_loop3A_288 = arith.cmpi ne, %parallel_loop3A_286, %parallel_loop3A_287 : i32
      %parallel_loop3A_289 = arith.constant 0 : i32
      %parallel_loop3A_290 = arith.cmpi slt, %parallel_loop3A_286, %parallel_loop3A_289 : i32
      %parallel_loop3A_291 = arith.constant 0 : i32
      %parallel_loop3A_292 = arith.cmpi slt, %parallel_loop3A_285, %parallel_loop3A_291 : i32
      %parallel_loop3A_293 = arith.xori %parallel_loop3A_290, %parallel_loop3A_292 : i1
      %parallel_loop3A_294 = arith.andi %parallel_loop3A_293, %parallel_loop3A_288 : i1
      %parallel_loop3A_295 = arith.addi %parallel_loop3A_286, %parallel_loop3A_285 : i32
      %parallel_loop3A_296 = arith.select %parallel_loop3A_294, %parallel_loop3A_295, %parallel_loop3A_286 : i32
      %parallel_loop3A_297 = arith.constant 16 : i32
      %parallel_loop3A_298 = arith.muli %parallel_loop3A_296, %parallel_loop3A_297 : i32
      %parallel_loop3A_299 = arith.index_cast %parallel_loop3A_280 : i32 to index
      %parallel_loop3A_300 = arith.index_cast %parallel_loop3A_298 : i32 to index
      %parallel_loop3A_301 = tpu.vector_load %arg9[%parallel_loop3A_299, %parallel_loop3A_300] {strides = array<i32>} : memref<16x512xf32, #tpu.memory_space<vmem>>, vector<1x16xf32>,
      %parallel_loop3A_302 = vector.shape_cast %parallel_loop3A_301 : vector<1x16xf32> to vector<16xf32>
      %parallel_loop3A_303 = arith.index_cast %parallel_loop3A_280 : i32 to index
      %parallel_loop3A_304 = arith.index_cast %parallel_loop3A_298 : i32 to index
      %parallel_loop3A_305 = tpu.vector_load %arg7[%parallel_loop3A_303, %parallel_loop3A_304] {strides = array<i32>} : memref<16x512xf32, #tpu.memory_space<vmem>>, vector<1x16xf32>,
      %parallel_loop3A_306 = vector.shape_cast %parallel_loop3A_305 : vector<1x16xf32> to vector<16xf32>
      %parallel_loop3A_307 = arith.addf %parallel_loop3A_302, %parallel_loop3A_306 : vector<16xf32>
      %parallel_loop3A_308 = arith.index_cast %parallel_loop3A_280 : i32 to index
      %parallel_loop3A_309 = arith.index_cast %parallel_loop3A_298 : i32 to index
      %parallel_loop3A_310 = tpu.vector_load %arg9[%parallel_loop3A_308, %parallel_loop3A_309] {strides = array<i32>} : memref<16x512xf32, #tpu.memory_space<vmem>>, vector<1x16xf32>,
      %parallel_loop3A_311 = vector.shape_cast %parallel_loop3A_310 : vector<1x16xf32> to vector<16xf32>
      %parallel_loop3A_312 = vector.shape_cast %parallel_loop3A_307 : vector<16xf32> to vector<1x16xf32>
      tpu.vector_store %arg9[%parallel_loop3A_308, %parallel_loop3A_309], %parallel_loop3A_312 {strides = array<i32>} : memref<16x512xf32, #tpu.memory_space<vmem>>, vector<1x16xf32>,
    } {sc.loop_unroll_factor = 8 : i64, sc.parallel_access}
    %dma_start3A_70 = arith.constant 1 : i32
    %dma_start3A_71 = arith.constant 0 : i32
    %dma_start3A_72 = tpu.memref_slice %arg4[%dma_start3A_70, %mul3A_2, %dma_start3A_71] : memref<8x512x512xf32, #tpu.memory_space<hbm>> -> memref<1x16x512xf32, #tpu.memory_space<hbm>>
    %dma_start3A_73 = tpu.memref_squeeze %dma_start3A_72 : memref<1x16x512xf32, #tpu.memory_space<hbm>> -> memref<16x512xf32, #tpu.memory_space<hbm>>
    %dma_start3A_74 = arith.constant 0 : i32
    %dma_start3A_75 = tpu.memref_slice %arg4[%dma_start3A_70, %mul3A_2, %dma_start3A_74] : memref<8x512x512xf32, #tpu.memory_space<hbm>> -> memref<1x16x512xf32, #tpu.memory_space<hbm>>
    %dma_start3A_76 = tpu.memref_squeeze %dma_start3A_75 : memref<1x16x512xf32, #tpu.memory_space<hbm>> -> memref<16x512xf32, #tpu.memory_space<hbm>>
    tpu.enqueue_dma source(%arg9 : memref<16x512xf32, #tpu.memory_space<vmem>>) target(%dma_start3A_76 : memref<16x512xf32, #tpu.memory_space<hbm>>) target_semaphore(%arg13 : memref<!tpu.dma_semaphore, #tpu.memory_space<semaphore_mem>>)
    %dma_wait3A_77 = arith.constant 1 : i32
    %dma_wait3A_78 = arith.constant 0 : i32
    %dma_wait3A_79 = tpu.memref_slice %arg4[%dma_wait3A_77, %mul3A_2, %dma_wait3A_78] : memref<8x512x512xf32, #tpu.memory_space<hbm>> -> memref<1x16x512xf32, #tpu.memory_space<hbm>>
    %dma_wait3A_80 = tpu.memref_squeeze %dma_wait3A_79 : memref<1x16x512xf32, #tpu.memory_space<hbm>> -> memref<16x512xf32, #tpu.memory_space<hbm>>
    %dma_wait3A_81 = arith.constant 0 : i32
    %dma_wait3A_82 = tpu.memref_slice %arg4[%dma_wait3A_77, %mul3A_2, %dma_wait3A_81] : memref<8x512x512xf32, #tpu.memory_space<hbm>> -> memref<1x16x512xf32, #tpu.memory_space<hbm>>
    %dma_wait3A_83 = tpu.memref_squeeze %dma_wait3A_82 : memref<1x16x512xf32, #tpu.memory_space<hbm>> -> memref<16x512xf32, #tpu.memory_space<hbm>>
    tpu.wait_dma2 semaphore(%arg13 : memref<!tpu.dma_semaphore, #tpu.memory_space<semaphore_mem>>) src(%arg9 : memref<16x512xf32, #tpu.memory_space<vmem>>) dst(%dma_wait3A_83 : memref<16x512xf32, #tpu.memory_space<hbm>>)
    %dma_start3A_84 = arith.constant 3 : i32
    %dma_start3A_85 = arith.constant 0 : i32
    %dma_start3A_86 = tpu.memref_slice %arg2[%dma_start3A_84, %mul3A_2, %dma_start3A_85] : memref<8x512x512xf32, #tpu.memory_space<hbm>> -> memref<1x16x512xf32, #tpu.memory_space<hbm>>
    %dma_start3A_87 = tpu.memref_squeeze %dma_start3A_86 : memref<1x16x512xf32, #tpu.memory_space<hbm>> -> memref<16x512xf32, #tpu.memory_space<hbm>>
    %dma_start3A_88 = arith.constant 0 : i32
    %dma_start3A_89 = tpu.memref_slice %arg2[%dma_start3A_84, %mul3A_2, %dma_start3A_88] : memref<8x512x512xf32, #tpu.memory_space<hbm>> -> memref<1x16x512xf32, #tpu.memory_space<hbm>>
    %dma_start3A_90 = tpu.memref_squeeze %dma_start3A_89 : memref<1x16x512xf32, #tpu.memory_space<hbm>> -> memref<16x512xf32, #tpu.memory_space<hbm>>
    tpu.enqueue_dma source(%dma_start3A_90 : memref<16x512xf32, #tpu.memory_space<hbm>>) target(%arg9 : memref<16x512xf32, #tpu.memory_space<vmem>>) target_semaphore(%arg11 : memref<!tpu.dma_semaphore, #tpu.memory_space<semaphore_mem>>)
    %dma_wait3A_91 = arith.constant 2 : i32
    %dma_wait3A_92 = arith.constant 0 : i32
    %dma_wait3A_93 = tpu.memref_slice %arg2[%dma_wait3A_91, %mul3A_2, %dma_wait3A_92] : memref<8x512x512xf32, #tpu.memory_space<hbm>> -> memref<1x16x512xf32, #tpu.memory_space<hbm>>
    %dma_wait3A_94 = tpu.memref_squeeze %dma_wait3A_93 : memref<1x16x512xf32, #tpu.memory_space<hbm>> -> memref<16x512xf32, #tpu.memory_space<hbm>>
    %dma_wait3A_95 = arith.constant 0 : i32
    %dma_wait3A_96 = tpu.memref_slice %arg2[%dma_wait3A_91, %mul3A_2, %dma_wait3A_95] : memref<8x512x512xf32, #tpu.memory_space<hbm>> -> memref<1x16x512xf32, #tpu.memory_space<hbm>>
    %dma_wait3A_97 = tpu.memref_squeeze %dma_wait3A_96 : memref<1x16x512xf32, #tpu.memory_space<hbm>> -> memref<16x512xf32, #tpu.memory_space<hbm>>
    tpu.wait_dma2 semaphore(%arg10 : memref<!tpu.dma_semaphore, #tpu.memory_space<semaphore_mem>>) src(%dma_wait3A_97 : memref<16x512xf32, #tpu.memory_space<hbm>>) dst(%arg8 : memref<16x512xf32, #tpu.memory_space<vmem>>)
    %parallel_loop3A_98 = arith.constant 0 : i32
    %parallel_loop3A_99 = arith.constant 512 : i32
    %parallel_loop3A_100 = arith.constant 1 : i32
    scf.for %parallel_loop3A_256 = %parallel_loop3A_98 to %parallel_loop3A_99 step %parallel_loop3A_100  : i32 {
      %parallel_loop3A_257 = arith.constant 32 : i32
      %parallel_loop3A_258 = arith.divsi %parallel_loop3A_256, %parallel_loop3A_257 : i32
      %parallel_loop3A_259 = arith.constant 0 : i32
      %parallel_loop3A_260 = arith.cmpi sgt, %parallel_loop3A_256, %parallel_loop3A_259 : i32
      %parallel_loop3A_261 = arith.extui %parallel_loop3A_260 : i1 to i32
      %parallel_loop3A_262 = arith.constant 0 : i32
      %parallel_loop3A_263 = arith.cmpi slt, %parallel_loop3A_256, %parallel_loop3A_262 : i32
      %parallel_loop3A_264 = arith.extui %parallel_loop3A_263 : i1 to i32
      %parallel_loop3A_265 = arith.subi %parallel_loop3A_261, %parallel_loop3A_264 : i32
      %parallel_loop3A_266 = arith.constant 0 : i32
      %parallel_loop3A_267 = arith.cmpi sgt, %parallel_loop3A_257, %parallel_loop3A_266 : i32
      %parallel_loop3A_268 = arith.extui %parallel_loop3A_267 : i1 to i32
      %parallel_loop3A_269 = arith.constant 0 : i32
      %parallel_loop3A_270 = arith.cmpi slt, %parallel_loop3A_257, %parallel_loop3A_269 : i32
      %parallel_loop3A_271 = arith.extui %parallel_loop3A_270 : i1 to i32
      %parallel_loop3A_272 = arith.subi %parallel_loop3A_268, %parallel_loop3A_271 : i32
      %parallel_loop3A_273 = arith.cmpi ne, %parallel_loop3A_265, %parallel_loop3A_272 : i32
      %parallel_loop3A_274 = arith.remsi %parallel_loop3A_256, %parallel_loop3A_257 : i32
      %parallel_loop3A_275 = arith.constant 0 : i32
      %parallel_loop3A_276 = arith.cmpi ne, %parallel_loop3A_274, %parallel_loop3A_275 : i32
      %parallel_loop3A_277 = arith.andi %parallel_loop3A_273, %parallel_loop3A_276 : i1
      %parallel_loop3A_278 = arith.constant 1 : i32
      %parallel_loop3A_279 = arith.subi %parallel_loop3A_258, %parallel_loop3A_278 : i32
      %parallel_loop3A_280 = arith.select %parallel_loop3A_277, %parallel_loop3A_279, %parallel_loop3A_258 : i32
      %parallel_loop3A_281 = arith.constant 32 : i32
      %parallel_loop3A_282 = arith.constant 0 : i32
      %parallel_loop3A_283 = arith.cmpi eq, %parallel_loop3A_281, %parallel_loop3A_282 : i32
      %parallel_loop3A_284 = arith.constant 1 : i32
      %parallel_loop3A_285 = arith.select %parallel_loop3A_283, %parallel_loop3A_284, %parallel_loop3A_281 : i32
      %parallel_loop3A_286 = arith.remsi %parallel_loop3A_256, %parallel_loop3A_285 : i32
      %parallel_loop3A_287 = arith.constant 0 : i32
      %parallel_loop3A_288 = arith.cmpi ne, %parallel_loop3A_286, %parallel_loop3A_287 : i32
      %parallel_loop3A_289 = arith.constant 0 : i32
      %parallel_loop3A_290 = arith.cmpi slt, %parallel_loop3A_286, %parallel_loop3A_289 : i32
      %parallel_loop3A_291 = arith.constant 0 : i32
      %parallel_loop3A_292 = arith.cmpi slt, %parallel_loop3A_285, %parallel_loop3A_291 : i32
      %parallel_loop3A_293 = arith.xori %parallel_loop3A_290, %parallel_loop3A_292 : i1
      %parallel_loop3A_294 = arith.andi %parallel_loop3A_293, %parallel_loop3A_288 : i1
      %parallel_loop3A_295 = arith.addi %parallel_loop3A_286, %parallel_loop3A_285 : i32
      %parallel_loop3A_296 = arith.select %parallel_loop3A_294, %parallel_loop3A_295, %parallel_loop3A_286 : i32
      %parallel_loop3A_297 = arith.constant 16 : i32
      %parallel_loop3A_298 = arith.muli %parallel_loop3A_296, %parallel_loop3A_297 : i32
      %parallel_loop3A_299 = arith.index_cast %parallel_loop3A_280 : i32 to index
      %parallel_loop3A_300 = arith.index_cast %parallel_loop3A_298 : i32 to index
      %parallel_loop3A_301 = tpu.vector_load %arg8[%parallel_loop3A_299, %parallel_loop3A_300] {strides = array<i32>} : memref<16x512xf32, #tpu.memory_space<vmem>>, vector<1x16xf32>,
      %parallel_loop3A_302 = vector.shape_cast %parallel_loop3A_301 : vector<1x16xf32> to vector<16xf32>
      %parallel_loop3A_303 = arith.index_cast %parallel_loop3A_280 : i32 to index
      %parallel_loop3A_304 = arith.index_cast %parallel_loop3A_298 : i32 to index
      %parallel_loop3A_305 = tpu.vector_load %arg7[%parallel_loop3A_303, %parallel_loop3A_304] {strides = array<i32>} : memref<16x512xf32, #tpu.memory_space<vmem>>, vector<1x16xf32>,
      %parallel_loop3A_306 = vector.shape_cast %parallel_loop3A_305 : vector<1x16xf32> to vector<16xf32>
      %parallel_loop3A_307 = arith.addf %parallel_loop3A_302, %parallel_loop3A_306 : vector<16xf32>
      %parallel_loop3A_308 = arith.index_cast %parallel_loop3A_280 : i32 to index
      %parallel_loop3A_309 = arith.index_cast %parallel_loop3A_298 : i32 to index
      %parallel_loop3A_310 = tpu.vector_load %arg8[%parallel_loop3A_308, %parallel_loop3A_309] {strides = array<i32>} : memref<16x512xf32, #tpu.memory_space<vmem>>, vector<1x16xf32>,
      %parallel_loop3A_311 = vector.shape_cast %parallel_loop3A_310 : vector<1x16xf32> to vector<16xf32>
      %parallel_loop3A_312 = vector.shape_cast %parallel_loop3A_307 : vector<16xf32> to vector<1x16xf32>
      tpu.vector_store %arg8[%parallel_loop3A_308, %parallel_loop3A_309], %parallel_loop3A_312 {strides = array<i32>} : memref<16x512xf32, #tpu.memory_space<vmem>>, vector<1x16xf32>,
    } {sc.loop_unroll_factor = 8 : i64, sc.parallel_access}
    %dma_start3A_101 = arith.constant 2 : i32
    %dma_start3A_102 = arith.constant 0 : i32
    %dma_start3A_103 = tpu.memref_slice %arg4[%dma_start3A_101, %mul3A_2, %dma_start3A_102] : memref<8x512x512xf32, #tpu.memory_space<hbm>> -> memref<1x16x512xf32, #tpu.memory_space<hbm>>
    %dma_start3A_104 = tpu.memref_squeeze %dma_start3A_103 : memref<1x16x512xf32, #tpu.memory_space<hbm>> -> memref<16x512xf32, #tpu.memory_space<hbm>>
    %dma_start3A_105 = arith.constant 0 : i32
    %dma_start3A_106 = tpu.memref_slice %arg4[%dma_start3A_101, %mul3A_2, %dma_start3A_105] : memref<8x512x512xf32, #tpu.memory_space<hbm>> -> memref<1x16x512xf32, #tpu.memory_space<hbm>>
    %dma_start3A_107 = tpu.memref_squeeze %dma_start3A_106 : memref<1x16x512xf32, #tpu.memory_space<hbm>> -> memref<16x512xf32, #tpu.memory_space<hbm>>
    tpu.enqueue_dma source(%arg8 : memref<16x512xf32, #tpu.memory_space<vmem>>) target(%dma_start3A_107 : memref<16x512xf32, #tpu.memory_space<hbm>>) target_semaphore(%arg12 : memref<!tpu.dma_semaphore, #tpu.memory_space<semaphore_mem>>)
    %dma_wait3A_108 = arith.constant 2 : i32
    %dma_wait3A_109 = arith.constant 0 : i32
    %dma_wait3A_110 = tpu.memref_slice %arg4[%dma_wait3A_108, %mul3A_2, %dma_wait3A_109] : memref<8x512x512xf32, #tpu.memory_space<hbm>> -> memref<1x16x512xf32, #tpu.memory_space<hbm>>
    %dma_wait3A_111 = tpu.memref_squeeze %dma_wait3A_110 : memref<1x16x512xf32, #tpu.memory_space<hbm>> -> memref<16x512xf32, #tpu.memory_space<hbm>>
    %dma_wait3A_112 = arith.constant 0 : i32
    %dma_wait3A_113 = tpu.memref_slice %arg4[%dma_wait3A_108, %mul3A_2, %dma_wait3A_112] : memref<8x512x512xf32, #tpu.memory_space<hbm>> -> memref<1x16x512xf32, #tpu.memory_space<hbm>>
    %dma_wait3A_114 = tpu.memref_squeeze %dma_wait3A_113 : memref<1x16x512xf32, #tpu.memory_space<hbm>> -> memref<16x512xf32, #tpu.memory_space<hbm>>
    tpu.wait_dma2 semaphore(%arg12 : memref<!tpu.dma_semaphore, #tpu.memory_space<semaphore_mem>>) src(%arg8 : memref<16x512xf32, #tpu.memory_space<vmem>>) dst(%dma_wait3A_114 : memref<16x512xf32, #tpu.memory_space<hbm>>)
    %dma_start3A_115 = arith.constant 4 : i32
    %dma_start3A_116 = arith.constant 0 : i32
    %dma_start3A_117 = tpu.memref_slice %arg2[%dma_start3A_115, %mul3A_2, %dma_start3A_116] : memref<8x512x512xf32, #tpu.memory_space<hbm>> -> memref<1x16x512xf32, #tpu.memory_space<hbm>>
    %dma_start3A_118 = tpu.memref_squeeze %dma_start3A_117 : memref<1x16x512xf32, #tpu.memory_space<hbm>> -> memref<16x512xf32, #tpu.memory_space<hbm>>
    %dma_start3A_119 = arith.constant 0 : i32
    %dma_start3A_120 = tpu.memref_slice %arg2[%dma_start3A_115, %mul3A_2, %dma_start3A_119] : memref<8x512x512xf32, #tpu.memory_space<hbm>> -> memref<1x16x512xf32, #tpu.memory_space<hbm>>
    %dma_start3A_121 = tpu.memref_squeeze %dma_start3A_120 : memref<1x16x512xf32, #tpu.memory_space<hbm>> -> memref<16x512xf32, #tpu.memory_space<hbm>>
    tpu.enqueue_dma source(%dma_start3A_121 : memref<16x512xf32, #tpu.memory_space<hbm>>) target(%arg8 : memref<16x512xf32, #tpu.memory_space<vmem>>) target_semaphore(%arg10 : memref<!tpu.dma_semaphore, #tpu.memory_space<semaphore_mem>>)
    %dma_wait3A_122 = arith.constant 3 : i32
    %dma_wait3A_123 = arith.constant 0 : i32
    %dma_wait3A_124 = tpu.memref_slice %arg2[%dma_wait3A_122, %mul3A_2, %dma_wait3A_123] : memref<8x512x512xf32, #tpu.memory_space<hbm>> -> memref<1x16x512xf32, #tpu.memory_space<hbm>>
    %dma_wait3A_125 = tpu.memref_squeeze %dma_wait3A_124 : memref<1x16x512xf32, #tpu.memory_space<hbm>> -> memref<16x512xf32, #tpu.memory_space<hbm>>
    %dma_wait3A_126 = arith.constant 0 : i32
    %dma_wait3A_127 = tpu.memref_slice %arg2[%dma_wait3A_122, %mul3A_2, %dma_wait3A_126] : memref<8x512x512xf32, #tpu.memory_space<hbm>> -> memref<1x16x512xf32, #tpu.memory_space<hbm>>
    %dma_wait3A_128 = tpu.memref_squeeze %dma_wait3A_127 : memref<1x16x512xf32, #tpu.memory_space<hbm>> -> memref<16x512xf32, #tpu.memory_space<hbm>>
    tpu.wait_dma2 semaphore(%arg11 : memref<!tpu.dma_semaphore, #tpu.memory_space<semaphore_mem>>) src(%dma_wait3A_128 : memref<16x512xf32, #tpu.memory_space<hbm>>) dst(%arg9 : memref<16x512xf32, #tpu.memory_space<vmem>>)
    %parallel_loop3A_129 = arith.constant 0 : i32
    %parallel_loop3A_130 = arith.constant 512 : i32
    %parallel_loop3A_131 = arith.constant 1 : i32
    scf.for %parallel_loop3A_256 = %parallel_loop3A_129 to %parallel_loop3A_130 step %parallel_loop3A_131  : i32 {
      %parallel_loop3A_257 = arith.constant 32 : i32
      %parallel_loop3A_258 = arith.divsi %parallel_loop3A_256, %parallel_loop3A_257 : i32
      %parallel_loop3A_259 = arith.constant 0 : i32
      %parallel_loop3A_260 = arith.cmpi sgt, %parallel_loop3A_256, %parallel_loop3A_259 : i32
      %parallel_loop3A_261 = arith.extui %parallel_loop3A_260 : i1 to i32
      %parallel_loop3A_262 = arith.constant 0 : i32
      %parallel_loop3A_263 = arith.cmpi slt, %parallel_loop3A_256, %parallel_loop3A_262 : i32
      %parallel_loop3A_264 = arith.extui %parallel_loop3A_263 : i1 to i32
      %parallel_loop3A_265 = arith.subi %parallel_loop3A_261, %parallel_loop3A_264 : i32
      %parallel_loop3A_266 = arith.constant 0 : i32
      %parallel_loop3A_267 = arith.cmpi sgt, %parallel_loop3A_257, %parallel_loop3A_266 : i32
      %parallel_loop3A_268 = arith.extui %parallel_loop3A_267 : i1 to i32
      %parallel_loop3A_269 = arith.constant 0 : i32
      %parallel_loop3A_270 = arith.cmpi slt, %parallel_loop3A_257, %parallel_loop3A_269 : i32
      %parallel_loop3A_271 = arith.extui %parallel_loop3A_270 : i1 to i32
      %parallel_loop3A_272 = arith.subi %parallel_loop3A_268, %parallel_loop3A_271 : i32
      %parallel_loop3A_273 = arith.cmpi ne, %parallel_loop3A_265, %parallel_loop3A_272 : i32
      %parallel_loop3A_274 = arith.remsi %parallel_loop3A_256, %parallel_loop3A_257 : i32
      %parallel_loop3A_275 = arith.constant 0 : i32
      %parallel_loop3A_276 = arith.cmpi ne, %parallel_loop3A_274, %parallel_loop3A_275 : i32
      %parallel_loop3A_277 = arith.andi %parallel_loop3A_273, %parallel_loop3A_276 : i1
      %parallel_loop3A_278 = arith.constant 1 : i32
      %parallel_loop3A_279 = arith.subi %parallel_loop3A_258, %parallel_loop3A_278 : i32
      %parallel_loop3A_280 = arith.select %parallel_loop3A_277, %parallel_loop3A_279, %parallel_loop3A_258 : i32
      %parallel_loop3A_281 = arith.constant 32 : i32
      %parallel_loop3A_282 = arith.constant 0 : i32
      %parallel_loop3A_283 = arith.cmpi eq, %parallel_loop3A_281, %parallel_loop3A_282 : i32
      %parallel_loop3A_284 = arith.constant 1 : i32
      %parallel_loop3A_285 = arith.select %parallel_loop3A_283, %parallel_loop3A_284, %parallel_loop3A_281 : i32
      %parallel_loop3A_286 = arith.remsi %parallel_loop3A_256, %parallel_loop3A_285 : i32
      %parallel_loop3A_287 = arith.constant 0 : i32
      %parallel_loop3A_288 = arith.cmpi ne, %parallel_loop3A_286, %parallel_loop3A_287 : i32
      %parallel_loop3A_289 = arith.constant 0 : i32
      %parallel_loop3A_290 = arith.cmpi slt, %parallel_loop3A_286, %parallel_loop3A_289 : i32
      %parallel_loop3A_291 = arith.constant 0 : i32
      %parallel_loop3A_292 = arith.cmpi slt, %parallel_loop3A_285, %parallel_loop3A_291 : i32
      %parallel_loop3A_293 = arith.xori %parallel_loop3A_290, %parallel_loop3A_292 : i1
      %parallel_loop3A_294 = arith.andi %parallel_loop3A_293, %parallel_loop3A_288 : i1
      %parallel_loop3A_295 = arith.addi %parallel_loop3A_286, %parallel_loop3A_285 : i32
      %parallel_loop3A_296 = arith.select %parallel_loop3A_294, %parallel_loop3A_295, %parallel_loop3A_286 : i32
      %parallel_loop3A_297 = arith.constant 16 : i32
      %parallel_loop3A_298 = arith.muli %parallel_loop3A_296, %parallel_loop3A_297 : i32
      %parallel_loop3A_299 = arith.index_cast %parallel_loop3A_280 : i32 to index
      %parallel_loop3A_300 = arith.index_cast %parallel_loop3A_298 : i32 to index
      %parallel_loop3A_301 = tpu.vector_load %arg9[%parallel_loop3A_299, %parallel_loop3A_300] {strides = array<i32>} : memref<16x512xf32, #tpu.memory_space<vmem>>, vector<1x16xf32>,
      %parallel_loop3A_302 = vector.shape_cast %parallel_loop3A_301 : vector<1x16xf32> to vector<16xf32>
      %parallel_loop3A_303 = arith.index_cast %parallel_loop3A_280 : i32 to index
      %parallel_loop3A_304 = arith.index_cast %parallel_loop3A_298 : i32 to index
      %parallel_loop3A_305 = tpu.vector_load %arg7[%parallel_loop3A_303, %parallel_loop3A_304] {strides = array<i32>} : memref<16x512xf32, #tpu.memory_space<vmem>>, vector<1x16xf32>,
      %parallel_loop3A_306 = vector.shape_cast %parallel_loop3A_305 : vector<1x16xf32> to vector<16xf32>
      %parallel_loop3A_307 = arith.addf %parallel_loop3A_302, %parallel_loop3A_306 : vector<16xf32>
      %parallel_loop3A_308 = arith.index_cast %parallel_loop3A_280 : i32 to index
      %parallel_loop3A_309 = arith.index_cast %parallel_loop3A_298 : i32 to index
      %parallel_loop3A_310 = tpu.vector_load %arg9[%parallel_loop3A_308, %parallel_loop3A_309] {strides = array<i32>} : memref<16x512xf32, #tpu.memory_space<vmem>>, vector<1x16xf32>,
      %parallel_loop3A_311 = vector.shape_cast %parallel_loop3A_310 : vector<1x16xf32> to vector<16xf32>
      %parallel_loop3A_312 = vector.shape_cast %parallel_loop3A_307 : vector<16xf32> to vector<1x16xf32>
      tpu.vector_store %arg9[%parallel_loop3A_308, %parallel_loop3A_309], %parallel_loop3A_312 {strides = array<i32>} : memref<16x512xf32, #tpu.memory_space<vmem>>, vector<1x16xf32>,
    } {sc.loop_unroll_factor = 8 : i64, sc.parallel_access}
    %dma_start3A_132 = arith.constant 3 : i32
    %dma_start3A_133 = arith.constant 0 : i32
    %dma_start3A_134 = tpu.memref_slice %arg4[%dma_start3A_132, %mul3A_2, %dma_start3A_133] : memref<8x512x512xf32, #tpu.memory_space<hbm>> -> memref<1x16x512xf32, #tpu.memory_space<hbm>>
    %dma_start3A_135 = tpu.memref_squeeze %dma_start3A_134 : memref<1x16x512xf32, #tpu.memory_space<hbm>> -> memref<16x512xf32, #tpu.memory_space<hbm>>
    %dma_start3A_136 = arith.constant 0 : i32
    %dma_start3A_137 = tpu.memref_slice %arg4[%dma_start3A_132, %mul3A_2, %dma_start3A_136] : memref<8x512x512xf32, #tpu.memory_space<hbm>> -> memref<1x16x512xf32, #tpu.memory_space<hbm>>
    %dma_start3A_138 = tpu.memref_squeeze %dma_start3A_137 : memref<1x16x512xf32, #tpu.memory_space<hbm>> -> memref<16x512xf32, #tpu.memory_space<hbm>>
    tpu.enqueue_dma source(%arg9 : memref<16x512xf32, #tpu.memory_space<vmem>>) target(%dma_start3A_138 : memref<16x512xf32, #tpu.memory_space<hbm>>) target_semaphore(%arg13 : memref<!tpu.dma_semaphore, #tpu.memory_space<semaphore_mem>>)
    %dma_wait3A_139 = arith.constant 3 : i32
    %dma_wait3A_140 = arith.constant 0 : i32
    %dma_wait3A_141 = tpu.memref_slice %arg4[%dma_wait3A_139, %mul3A_2, %dma_wait3A_140] : memref<8x512x512xf32, #tpu.memory_space<hbm>> -> memref<1x16x512xf32, #tpu.memory_space<hbm>>
    %dma_wait3A_142 = tpu.memref_squeeze %dma_wait3A_141 : memref<1x16x512xf32, #tpu.memory_space<hbm>> -> memref<16x512xf32, #tpu.memory_space<hbm>>
    %dma_wait3A_143 = arith.constant 0 : i32
    %dma_wait3A_144 = tpu.memref_slice %arg4[%dma_wait3A_139, %mul3A_2, %dma_wait3A_143] : memref<8x512x512xf32, #tpu.memory_space<hbm>> -> memref<1x16x512xf32, #tpu.memory_space<hbm>>
    %dma_wait3A_145 = tpu.memref_squeeze %dma_wait3A_144 : memref<1x16x512xf32, #tpu.memory_space<hbm>> -> memref<16x512xf32, #tpu.memory_space<hbm>>
    tpu.wait_dma2 semaphore(%arg13 : memref<!tpu.dma_semaphore, #tpu.memory_space<semaphore_mem>>) src(%arg9 : memref<16x512xf32, #tpu.memory_space<vmem>>) dst(%dma_wait3A_145 : memref<16x512xf32, #tpu.memory_space<hbm>>)
    %dma_start3A_146 = arith.constant 5 : i32
    %dma_start3A_147 = arith.constant 0 : i32
    %dma_start3A_148 = tpu.memref_slice %arg2[%dma_start3A_146, %mul3A_2, %dma_start3A_147] : memref<8x512x512xf32, #tpu.memory_space<hbm>> -> memref<1x16x512xf32, #tpu.memory_space<hbm>>
    %dma_start3A_149 = tpu.memref_squeeze %dma_start3A_148 : memref<1x16x512xf32, #tpu.memory_space<hbm>> -> memref<16x512xf32, #tpu.memory_space<hbm>>
    %dma_start3A_150 = arith.constant 0 : i32
    %dma_start3A_151 = tpu.memref_slice %arg2[%dma_start3A_146, %mul3A_2, %dma_start3A_150] : memref<8x512x512xf32, #tpu.memory_space<hbm>> -> memref<1x16x512xf32, #tpu.memory_space<hbm>>
    %dma_start3A_152 = tpu.memref_squeeze %dma_start3A_151 : memref<1x16x512xf32, #tpu.memory_space<hbm>> -> memref<16x512xf32, #tpu.memory_space<hbm>>
    tpu.enqueue_dma source(%dma_start3A_152 : memref<16x512xf32, #tpu.memory_space<hbm>>) target(%arg9 : memref<16x512xf32, #tpu.memory_space<vmem>>) target_semaphore(%arg11 : memref<!tpu.dma_semaphore, #tpu.memory_space<semaphore_mem>>)
    %dma_wait3A_153 = arith.constant 4 : i32
    %dma_wait3A_154 = arith.constant 0 : i32
    %dma_wait3A_155 = tpu.memref_slice %arg2[%dma_wait3A_153, %mul3A_2, %dma_wait3A_154] : memref<8x512x512xf32, #tpu.memory_space<hbm>> -> memref<1x16x512xf32, #tpu.memory_space<hbm>>
    %dma_wait3A_156 = tpu.memref_squeeze %dma_wait3A_155 : memref<1x16x512xf32, #tpu.memory_space<hbm>> -> memref<16x512xf32, #tpu.memory_space<hbm>>
    %dma_wait3A_157 = arith.constant 0 : i32
    %dma_wait3A_158 = tpu.memref_slice %arg2[%dma_wait3A_153, %mul3A_2, %dma_wait3A_157] : memref<8x512x512xf32, #tpu.memory_space<hbm>> -> memref<1x16x512xf32, #tpu.memory_space<hbm>>
    %dma_wait3A_159 = tpu.memref_squeeze %dma_wait3A_158 : memref<1x16x512xf32, #tpu.memory_space<hbm>> -> memref<16x512xf32, #tpu.memory_space<hbm>>
    tpu.wait_dma2 semaphore(%arg10 : memref<!tpu.dma_semaphore, #tpu.memory_space<semaphore_mem>>) src(%dma_wait3A_159 : memref<16x512xf32, #tpu.memory_space<hbm>>) dst(%arg8 : memref<16x512xf32, #tpu.memory_space<vmem>>)
    %parallel_loop3A_160 = arith.constant 0 : i32
    %parallel_loop3A_161 = arith.constant 512 : i32
    %parallel_loop3A_162 = arith.constant 1 : i32
    scf.for %parallel_loop3A_256 = %parallel_loop3A_160 to %parallel_loop3A_161 step %parallel_loop3A_162  : i32 {
      %parallel_loop3A_257 = arith.constant 32 : i32
      %parallel_loop3A_258 = arith.divsi %parallel_loop3A_256, %parallel_loop3A_257 : i32
      %parallel_loop3A_259 = arith.constant 0 : i32
      %parallel_loop3A_260 = arith.cmpi sgt, %parallel_loop3A_256, %parallel_loop3A_259 : i32
      %parallel_loop3A_261 = arith.extui %parallel_loop3A_260 : i1 to i32
      %parallel_loop3A_262 = arith.constant 0 : i32
      %parallel_loop3A_263 = arith.cmpi slt, %parallel_loop3A_256, %parallel_loop3A_262 : i32
      %parallel_loop3A_264 = arith.extui %parallel_loop3A_263 : i1 to i32
      %parallel_loop3A_265 = arith.subi %parallel_loop3A_261, %parallel_loop3A_264 : i32
      %parallel_loop3A_266 = arith.constant 0 : i32
      %parallel_loop3A_267 = arith.cmpi sgt, %parallel_loop3A_257, %parallel_loop3A_266 : i32
      %parallel_loop3A_268 = arith.extui %parallel_loop3A_267 : i1 to i32
      %parallel_loop3A_269 = arith.constant 0 : i32
      %parallel_loop3A_270 = arith.cmpi slt, %parallel_loop3A_257, %parallel_loop3A_269 : i32
      %parallel_loop3A_271 = arith.extui %parallel_loop3A_270 : i1 to i32
      %parallel_loop3A_272 = arith.subi %parallel_loop3A_268, %parallel_loop3A_271 : i32
      %parallel_loop3A_273 = arith.cmpi ne, %parallel_loop3A_265, %parallel_loop3A_272 : i32
      %parallel_loop3A_274 = arith.remsi %parallel_loop3A_256, %parallel_loop3A_257 : i32
      %parallel_loop3A_275 = arith.constant 0 : i32
      %parallel_loop3A_276 = arith.cmpi ne, %parallel_loop3A_274, %parallel_loop3A_275 : i32
      %parallel_loop3A_277 = arith.andi %parallel_loop3A_273, %parallel_loop3A_276 : i1
      %parallel_loop3A_278 = arith.constant 1 : i32
      %parallel_loop3A_279 = arith.subi %parallel_loop3A_258, %parallel_loop3A_278 : i32
      %parallel_loop3A_280 = arith.select %parallel_loop3A_277, %parallel_loop3A_279, %parallel_loop3A_258 : i32
      %parallel_loop3A_281 = arith.constant 32 : i32
      %parallel_loop3A_282 = arith.constant 0 : i32
      %parallel_loop3A_283 = arith.cmpi eq, %parallel_loop3A_281, %parallel_loop3A_282 : i32
      %parallel_loop3A_284 = arith.constant 1 : i32
      %parallel_loop3A_285 = arith.select %parallel_loop3A_283, %parallel_loop3A_284, %parallel_loop3A_281 : i32
      %parallel_loop3A_286 = arith.remsi %parallel_loop3A_256, %parallel_loop3A_285 : i32
      %parallel_loop3A_287 = arith.constant 0 : i32
      %parallel_loop3A_288 = arith.cmpi ne, %parallel_loop3A_286, %parallel_loop3A_287 : i32
      %parallel_loop3A_289 = arith.constant 0 : i32
      %parallel_loop3A_290 = arith.cmpi slt, %parallel_loop3A_286, %parallel_loop3A_289 : i32
      %parallel_loop3A_291 = arith.constant 0 : i32
      %parallel_loop3A_292 = arith.cmpi slt, %parallel_loop3A_285, %parallel_loop3A_291 : i32
      %parallel_loop3A_293 = arith.xori %parallel_loop3A_290, %parallel_loop3A_292 : i1
      %parallel_loop3A_294 = arith.andi %parallel_loop3A_293, %parallel_loop3A_288 : i1
      %parallel_loop3A_295 = arith.addi %parallel_loop3A_286, %parallel_loop3A_285 : i32
      %parallel_loop3A_296 = arith.select %parallel_loop3A_294, %parallel_loop3A_295, %parallel_loop3A_286 : i32
      %parallel_loop3A_297 = arith.constant 16 : i32
      %parallel_loop3A_298 = arith.muli %parallel_loop3A_296, %parallel_loop3A_297 : i32
      %parallel_loop3A_299 = arith.index_cast %parallel_loop3A_280 : i32 to index
      %parallel_loop3A_300 = arith.index_cast %parallel_loop3A_298 : i32 to index
      %parallel_loop3A_301 = tpu.vector_load %arg8[%parallel_loop3A_299, %parallel_loop3A_300] {strides = array<i32>} : memref<16x512xf32, #tpu.memory_space<vmem>>, vector<1x16xf32>,
      %parallel_loop3A_302 = vector.shape_cast %parallel_loop3A_301 : vector<1x16xf32> to vector<16xf32>
      %parallel_loop3A_303 = arith.index_cast %parallel_loop3A_280 : i32 to index
      %parallel_loop3A_304 = arith.index_cast %parallel_loop3A_298 : i32 to index
      %parallel_loop3A_305 = tpu.vector_load %arg7[%parallel_loop3A_303, %parallel_loop3A_304] {strides = array<i32>} : memref<16x512xf32, #tpu.memory_space<vmem>>, vector<1x16xf32>,
      %parallel_loop3A_306 = vector.shape_cast %parallel_loop3A_305 : vector<1x16xf32> to vector<16xf32>
      %parallel_loop3A_307 = arith.addf %parallel_loop3A_302, %parallel_loop3A_306 : vector<16xf32>
      %parallel_loop3A_308 = arith.index_cast %parallel_loop3A_280 : i32 to index
      %parallel_loop3A_309 = arith.index_cast %parallel_loop3A_298 : i32 to index
      %parallel_loop3A_310 = tpu.vector_load %arg8[%parallel_loop3A_308, %parallel_loop3A_309] {strides = array<i32>} : memref<16x512xf32, #tpu.memory_space<vmem>>, vector<1x16xf32>,
      %parallel_loop3A_311 = vector.shape_cast %parallel_loop3A_310 : vector<1x16xf32> to vector<16xf32>
      %parallel_loop3A_312 = vector.shape_cast %parallel_loop3A_307 : vector<16xf32> to vector<1x16xf32>
      tpu.vector_store %arg8[%parallel_loop3A_308, %parallel_loop3A_309], %parallel_loop3A_312 {strides = array<i32>} : memref<16x512xf32, #tpu.memory_space<vmem>>, vector<1x16xf32>,
    } {sc.loop_unroll_factor = 8 : i64, sc.parallel_access}
    %dma_start3A_163 = arith.constant 4 : i32
    %dma_start3A_164 = arith.constant 0 : i32
    %dma_start3A_165 = tpu.memref_slice %arg4[%dma_start3A_163, %mul3A_2, %dma_start3A_164] : memref<8x512x512xf32, #tpu.memory_space<hbm>> -> memref<1x16x512xf32, #tpu.memory_space<hbm>>
    %dma_start3A_166 = tpu.memref_squeeze %dma_start3A_165 : memref<1x16x512xf32, #tpu.memory_space<hbm>> -> memref<16x512xf32, #tpu.memory_space<hbm>>
    %dma_start3A_167 = arith.constant 0 : i32
    %dma_start3A_168 = tpu.memref_slice %arg4[%dma_start3A_163, %mul3A_2, %dma_start3A_167] : memref<8x512x512xf32, #tpu.memory_space<hbm>> -> memref<1x16x512xf32, #tpu.memory_space<hbm>>
    %dma_start3A_169 = tpu.memref_squeeze %dma_start3A_168 : memref<1x16x512xf32, #tpu.memory_space<hbm>> -> memref<16x512xf32, #tpu.memory_space<hbm>>
    tpu.enqueue_dma source(%arg8 : memref<16x512xf32, #tpu.memory_space<vmem>>) target(%dma_start3A_169 : memref<16x512xf32, #tpu.memory_space<hbm>>) target_semaphore(%arg12 : memref<!tpu.dma_semaphore, #tpu.memory_space<semaphore_mem>>)
    %dma_wait3A_170 = arith.constant 4 : i32
    %dma_wait3A_171 = arith.constant 0 : i32
    %dma_wait3A_172 = tpu.memref_slice %arg4[%dma_wait3A_170, %mul3A_2, %dma_wait3A_171] : memref<8x512x512xf32, #tpu.memory_space<hbm>> -> memref<1x16x512xf32, #tpu.memory_space<hbm>>
    %dma_wait3A_173 = tpu.memref_squeeze %dma_wait3A_172 : memref<1x16x512xf32, #tpu.memory_space<hbm>> -> memref<16x512xf32, #tpu.memory_space<hbm>>
    %dma_wait3A_174 = arith.constant 0 : i32
    %dma_wait3A_175 = tpu.memref_slice %arg4[%dma_wait3A_170, %mul3A_2, %dma_wait3A_174] : memref<8x512x512xf32, #tpu.memory_space<hbm>> -> memref<1x16x512xf32, #tpu.memory_space<hbm>>
    %dma_wait3A_176 = tpu.memref_squeeze %dma_wait3A_175 : memref<1x16x512xf32, #tpu.memory_space<hbm>> -> memref<16x512xf32, #tpu.memory_space<hbm>>
    tpu.wait_dma2 semaphore(%arg12 : memref<!tpu.dma_semaphore, #tpu.memory_space<semaphore_mem>>) src(%arg8 : memref<16x512xf32, #tpu.memory_space<vmem>>) dst(%dma_wait3A_176 : memref<16x512xf32, #tpu.memory_space<hbm>>)
    %dma_start3A_177 = arith.constant 6 : i32
    %dma_start3A_178 = arith.constant 0 : i32
    %dma_start3A_179 = tpu.memref_slice %arg2[%dma_start3A_177, %mul3A_2, %dma_start3A_178] : memref<8x512x512xf32, #tpu.memory_space<hbm>> -> memref<1x16x512xf32, #tpu.memory_space<hbm>>
    %dma_start3A_180 = tpu.memref_squeeze %dma_start3A_179 : memref<1x16x512xf32, #tpu.memory_space<hbm>> -> memref<16x512xf32, #tpu.memory_space<hbm>>
    %dma_start3A_181 = arith.constant 0 : i32
    %dma_start3A_182 = tpu.memref_slice %arg2[%dma_start3A_177, %mul3A_2, %dma_start3A_181] : memref<8x512x512xf32, #tpu.memory_space<hbm>> -> memref<1x16x512xf32, #tpu.memory_space<hbm>>
    %dma_start3A_183 = tpu.memref_squeeze %dma_start3A_182 : memref<1x16x512xf32, #tpu.memory_space<hbm>> -> memref<16x512xf32, #tpu.memory_space<hbm>>
    tpu.enqueue_dma source(%dma_start3A_183 : memref<16x512xf32, #tpu.memory_space<hbm>>) target(%arg8 : memref<16x512xf32, #tpu.memory_space<vmem>>) target_semaphore(%arg10 : memref<!tpu.dma_semaphore, #tpu.memory_space<semaphore_mem>>)
    %dma_wait3A_184 = arith.constant 5 : i32
    %dma_wait3A_185 = arith.constant 0 : i32
    %dma_wait3A_186 = tpu.memref_slice %arg2[%dma_wait3A_184, %mul3A_2, %dma_wait3A_185] : memref<8x512x512xf32, #tpu.memory_space<hbm>> -> memref<1x16x512xf32, #tpu.memory_space<hbm>>
    %dma_wait3A_187 = tpu.memref_squeeze %dma_wait3A_186 : memref<1x16x512xf32, #tpu.memory_space<hbm>> -> memref<16x512xf32, #tpu.memory_space<hbm>>
    %dma_wait3A_188 = arith.constant 0 : i32
    %dma_wait3A_189 = tpu.memref_slice %arg2[%dma_wait3A_184, %mul3A_2, %dma_wait3A_188] : memref<8x512x512xf32, #tpu.memory_space<hbm>> -> memref<1x16x512xf32, #tpu.memory_space<hbm>>
    %dma_wait3A_190 = tpu.memref_squeeze %dma_wait3A_189 : memref<1x16x512xf32, #tpu.memory_space<hbm>> -> memref<16x512xf32, #tpu.memory_space<hbm>>
    tpu.wait_dma2 semaphore(%arg11 : memref<!tpu.dma_semaphore, #tpu.memory_space<semaphore_mem>>) src(%dma_wait3A_190 : memref<16x512xf32, #tpu.memory_space<hbm>>) dst(%arg9 : memref<16x512xf32, #tpu.memory_space<vmem>>)
    %parallel_loop3A_191 = arith.constant 0 : i32
    %parallel_loop3A_192 = arith.constant 512 : i32
    %parallel_loop3A_193 = arith.constant 1 : i32
    scf.for %parallel_loop3A_256 = %parallel_loop3A_191 to %parallel_loop3A_192 step %parallel_loop3A_193  : i32 {
      %parallel_loop3A_257 = arith.constant 32 : i32
      %parallel_loop3A_258 = arith.divsi %parallel_loop3A_256, %parallel_loop3A_257 : i32
      %parallel_loop3A_259 = arith.constant 0 : i32
      %parallel_loop3A_260 = arith.cmpi sgt, %parallel_loop3A_256, %parallel_loop3A_259 : i32
      %parallel_loop3A_261 = arith.extui %parallel_loop3A_260 : i1 to i32
      %parallel_loop3A_262 = arith.constant 0 : i32
      %parallel_loop3A_263 = arith.cmpi slt, %parallel_loop3A_256, %parallel_loop3A_262 : i32
      %parallel_loop3A_264 = arith.extui %parallel_loop3A_263 : i1 to i32
      %parallel_loop3A_265 = arith.subi %parallel_loop3A_261, %parallel_loop3A_264 : i32
      %parallel_loop3A_266 = arith.constant 0 : i32
      %parallel_loop3A_267 = arith.cmpi sgt, %parallel_loop3A_257, %parallel_loop3A_266 : i32
      %parallel_loop3A_268 = arith.extui %parallel_loop3A_267 : i1 to i32
      %parallel_loop3A_269 = arith.constant 0 : i32
      %parallel_loop3A_270 = arith.cmpi slt, %parallel_loop3A_257, %parallel_loop3A_269 : i32
      %parallel_loop3A_271 = arith.extui %parallel_loop3A_270 : i1 to i32
      %parallel_loop3A_272 = arith.subi %parallel_loop3A_268, %parallel_loop3A_271 : i32
      %parallel_loop3A_273 = arith.cmpi ne, %parallel_loop3A_265, %parallel_loop3A_272 : i32
      %parallel_loop3A_274 = arith.remsi %parallel_loop3A_256, %parallel_loop3A_257 : i32
      %parallel_loop3A_275 = arith.constant 0 : i32
      %parallel_loop3A_276 = arith.cmpi ne, %parallel_loop3A_274, %parallel_loop3A_275 : i32
      %parallel_loop3A_277 = arith.andi %parallel_loop3A_273, %parallel_loop3A_276 : i1
      %parallel_loop3A_278 = arith.constant 1 : i32
      %parallel_loop3A_279 = arith.subi %parallel_loop3A_258, %parallel_loop3A_278 : i32
      %parallel_loop3A_280 = arith.select %parallel_loop3A_277, %parallel_loop3A_279, %parallel_loop3A_258 : i32
      %parallel_loop3A_281 = arith.constant 32 : i32
      %parallel_loop3A_282 = arith.constant 0 : i32
      %parallel_loop3A_283 = arith.cmpi eq, %parallel_loop3A_281, %parallel_loop3A_282 : i32
      %parallel_loop3A_284 = arith.constant 1 : i32
      %parallel_loop3A_285 = arith.select %parallel_loop3A_283, %parallel_loop3A_284, %parallel_loop3A_281 : i32
      %parallel_loop3A_286 = arith.remsi %parallel_loop3A_256, %parallel_loop3A_285 : i32
      %parallel_loop3A_287 = arith.constant 0 : i32
      %parallel_loop3A_288 = arith.cmpi ne, %parallel_loop3A_286, %parallel_loop3A_287 : i32
      %parallel_loop3A_289 = arith.constant 0 : i32
      %parallel_loop3A_290 = arith.cmpi slt, %parallel_loop3A_286, %parallel_loop3A_289 : i32
      %parallel_loop3A_291 = arith.constant 0 : i32
      %parallel_loop3A_292 = arith.cmpi slt, %parallel_loop3A_285, %parallel_loop3A_291 : i32
      %parallel_loop3A_293 = arith.xori %parallel_loop3A_290, %parallel_loop3A_292 : i1
      %parallel_loop3A_294 = arith.andi %parallel_loop3A_293, %parallel_loop3A_288 : i1
      %parallel_loop3A_295 = arith.addi %parallel_loop3A_286, %parallel_loop3A_285 : i32
      %parallel_loop3A_296 = arith.select %parallel_loop3A_294, %parallel_loop3A_295, %parallel_loop3A_286 : i32
      %parallel_loop3A_297 = arith.constant 16 : i32
      %parallel_loop3A_298 = arith.muli %parallel_loop3A_296, %parallel_loop3A_297 : i32
      %parallel_loop3A_299 = arith.index_cast %parallel_loop3A_280 : i32 to index
      %parallel_loop3A_300 = arith.index_cast %parallel_loop3A_298 : i32 to index
      %parallel_loop3A_301 = tpu.vector_load %arg9[%parallel_loop3A_299, %parallel_loop3A_300] {strides = array<i32>} : memref<16x512xf32, #tpu.memory_space<vmem>>, vector<1x16xf32>,
      %parallel_loop3A_302 = vector.shape_cast %parallel_loop3A_301 : vector<1x16xf32> to vector<16xf32>
      %parallel_loop3A_303 = arith.index_cast %parallel_loop3A_280 : i32 to index
      %parallel_loop3A_304 = arith.index_cast %parallel_loop3A_298 : i32 to index
      %parallel_loop3A_305 = tpu.vector_load %arg7[%parallel_loop3A_303, %parallel_loop3A_304] {strides = array<i32>} : memref<16x512xf32, #tpu.memory_space<vmem>>, vector<1x16xf32>,
      %parallel_loop3A_306 = vector.shape_cast %parallel_loop3A_305 : vector<1x16xf32> to vector<16xf32>
      %parallel_loop3A_307 = arith.addf %parallel_loop3A_302, %parallel_loop3A_306 : vector<16xf32>
      %parallel_loop3A_308 = arith.index_cast %parallel_loop3A_280 : i32 to index
      %parallel_loop3A_309 = arith.index_cast %parallel_loop3A_298 : i32 to index
      %parallel_loop3A_310 = tpu.vector_load %arg9[%parallel_loop3A_308, %parallel_loop3A_309] {strides = array<i32>} : memref<16x512xf32, #tpu.memory_space<vmem>>, vector<1x16xf32>,
      %parallel_loop3A_311 = vector.shape_cast %parallel_loop3A_310 : vector<1x16xf32> to vector<16xf32>
      %parallel_loop3A_312 = vector.shape_cast %parallel_loop3A_307 : vector<16xf32> to vector<1x16xf32>
      tpu.vector_store %arg9[%parallel_loop3A_308, %parallel_loop3A_309], %parallel_loop3A_312 {strides = array<i32>} : memref<16x512xf32, #tpu.memory_space<vmem>>, vector<1x16xf32>,
    } {sc.loop_unroll_factor = 8 : i64, sc.parallel_access}
    %dma_start3A_194 = arith.constant 5 : i32
    %dma_start3A_195 = arith.constant 0 : i32
    %dma_start3A_196 = tpu.memref_slice %arg4[%dma_start3A_194, %mul3A_2, %dma_start3A_195] : memref<8x512x512xf32, #tpu.memory_space<hbm>> -> memref<1x16x512xf32, #tpu.memory_space<hbm>>
    %dma_start3A_197 = tpu.memref_squeeze %dma_start3A_196 : memref<1x16x512xf32, #tpu.memory_space<hbm>> -> memref<16x512xf32, #tpu.memory_space<hbm>>
    %dma_start3A_198 = arith.constant 0 : i32
    %dma_start3A_199 = tpu.memref_slice %arg4[%dma_start3A_194, %mul3A_2, %dma_start3A_198] : memref<8x512x512xf32, #tpu.memory_space<hbm>> -> memref<1x16x512xf32, #tpu.memory_space<hbm>>
    %dma_start3A_200 = tpu.memref_squeeze %dma_start3A_199 : memref<1x16x512xf32, #tpu.memory_space<hbm>> -> memref<16x512xf32, #tpu.memory_space<hbm>>
    tpu.enqueue_dma source(%arg9 : memref<16x512xf32, #tpu.memory_space<vmem>>) target(%dma_start3A_200 : memref<16x512xf32, #tpu.memory_space<hbm>>) target_semaphore(%arg13 : memref<!tpu.dma_semaphore, #tpu.memory_space<semaphore_mem>>)
    %dma_wait3A_201 = arith.constant 5 : i32
    %dma_wait3A_202 = arith.constant 0 : i32
    %dma_wait3A_203 = tpu.memref_slice %arg4[%dma_wait3A_201, %mul3A_2, %dma_wait3A_202] : memref<8x512x512xf32, #tpu.memory_space<hbm>> -> memref<1x16x512xf32, #tpu.memory_space<hbm>>
    %dma_wait3A_204 = tpu.memref_squeeze %dma_wait3A_203 : memref<1x16x512xf32, #tpu.memory_space<hbm>> -> memref<16x512xf32, #tpu.memory_space<hbm>>
    %dma_wait3A_205 = arith.constant 0 : i32
    %dma_wait3A_206 = tpu.memref_slice %arg4[%dma_wait3A_201, %mul3A_2, %dma_wait3A_205] : memref<8x512x512xf32, #tpu.memory_space<hbm>> -> memref<1x16x512xf32, #tpu.memory_space<hbm>>
    %dma_wait3A_207 = tpu.memref_squeeze %dma_wait3A_206 : memref<1x16x512xf32, #tpu.memory_space<hbm>> -> memref<16x512xf32, #tpu.memory_space<hbm>>
    tpu.wait_dma2 semaphore(%arg13 : memref<!tpu.dma_semaphore, #tpu.memory_space<semaphore_mem>>) src(%arg9 : memref<16x512xf32, #tpu.memory_space<vmem>>) dst(%dma_wait3A_207 : memref<16x512xf32, #tpu.memory_space<hbm>>)
    %dma_start3A_208 = arith.constant 7 : i32
    %dma_start3A_209 = arith.constant 0 : i32
    %dma_start3A_210 = tpu.memref_slice %arg2[%dma_start3A_208, %mul3A_2, %dma_start3A_209] : memref<8x512x512xf32, #tpu.memory_space<hbm>> -> memref<1x16x512xf32, #tpu.memory_space<hbm>>
    %dma_start3A_211 = tpu.memref_squeeze %dma_start3A_210 : memref<1x16x512xf32, #tpu.memory_space<hbm>> -> memref<16x512xf32, #tpu.memory_space<hbm>>
    %dma_start3A_212 = arith.constant 0 : i32
    %dma_start3A_213 = tpu.memref_slice %arg2[%dma_start3A_208, %mul3A_2, %dma_start3A_212] : memref<8x512x512xf32, #tpu.memory_space<hbm>> -> memref<1x16x512xf32, #tpu.memory_space<hbm>>
    %dma_start3A_214 = tpu.memref_squeeze %dma_start3A_213 : memref<1x16x512xf32, #tpu.memory_space<hbm>> -> memref<16x512xf32, #tpu.memory_space<hbm>>
    tpu.enqueue_dma source(%dma_start3A_214 : memref<16x512xf32, #tpu.memory_space<hbm>>) target(%arg9 : memref<16x512xf32, #tpu.memory_space<vmem>>) target_semaphore(%arg11 : memref<!tpu.dma_semaphore, #tpu.memory_space<semaphore_mem>>)
    %dma_wait3A_215 = arith.constant 6 : i32
    %dma_wait3A_216 = arith.constant 0 : i32
    %dma_wait3A_217 = tpu.memref_slice %arg2[%dma_wait3A_215, %mul3A_2, %dma_wait3A_216] : memref<8x512x512xf32, #tpu.memory_space<hbm>> -> memref<1x16x512xf32, #tpu.memory_space<hbm>>
    %dma_wait3A_218 = tpu.memref_squeeze %dma_wait3A_217 : memref<1x16x512xf32, #tpu.memory_space<hbm>> -> memref<16x512xf32, #tpu.memory_space<hbm>>
    %dma_wait3A_219 = arith.constant 0 : i32
    %dma_wait3A_220 = tpu.memref_slice %arg2[%dma_wait3A_215, %mul3A_2, %dma_wait3A_219] : memref<8x512x512xf32, #tpu.memory_space<hbm>> -> memref<1x16x512xf32, #tpu.memory_space<hbm>>
    %dma_wait3A_221 = tpu.memref_squeeze %dma_wait3A_220 : memref<1x16x512xf32, #tpu.memory_space<hbm>> -> memref<16x512xf32, #tpu.memory_space<hbm>>
    tpu.wait_dma2 semaphore(%arg10 : memref<!tpu.dma_semaphore, #tpu.memory_space<semaphore_mem>>) src(%dma_wait3A_221 : memref<16x512xf32, #tpu.memory_space<hbm>>) dst(%arg8 : memref<16x512xf32, #tpu.memory_space<vmem>>)
    %parallel_loop3A_222 = arith.constant 0 : i32
    %parallel_loop3A_223 = arith.constant 512 : i32
    %parallel_loop3A_224 = arith.constant 1 : i32
    scf.for %parallel_loop3A_256 = %parallel_loop3A_222 to %parallel_loop3A_223 step %parallel_loop3A_224  : i32 {
      %parallel_loop3A_257 = arith.constant 32 : i32
      %parallel_loop3A_258 = arith.divsi %parallel_loop3A_256, %parallel_loop3A_257 : i32
      %parallel_loop3A_259 = arith.constant 0 : i32
      %parallel_loop3A_260 = arith.cmpi sgt, %parallel_loop3A_256, %parallel_loop3A_259 : i32
      %parallel_loop3A_261 = arith.extui %parallel_loop3A_260 : i1 to i32
      %parallel_loop3A_262 = arith.constant 0 : i32
      %parallel_loop3A_263 = arith.cmpi slt, %parallel_loop3A_256, %parallel_loop3A_262 : i32
      %parallel_loop3A_264 = arith.extui %parallel_loop3A_263 : i1 to i32
      %parallel_loop3A_265 = arith.subi %parallel_loop3A_261, %parallel_loop3A_264 : i32
      %parallel_loop3A_266 = arith.constant 0 : i32
      %parallel_loop3A_267 = arith.cmpi sgt, %parallel_loop3A_257, %parallel_loop3A_266 : i32
      %parallel_loop3A_268 = arith.extui %parallel_loop3A_267 : i1 to i32
      %parallel_loop3A_269 = arith.constant 0 : i32
      %parallel_loop3A_270 = arith.cmpi slt, %parallel_loop3A_257, %parallel_loop3A_269 : i32
      %parallel_loop3A_271 = arith.extui %parallel_loop3A_270 : i1 to i32
      %parallel_loop3A_272 = arith.subi %parallel_loop3A_268, %parallel_loop3A_271 : i32
      %parallel_loop3A_273 = arith.cmpi ne, %parallel_loop3A_265, %parallel_loop3A_272 : i32
      %parallel_loop3A_274 = arith.remsi %parallel_loop3A_256, %parallel_loop3A_257 : i32
      %parallel_loop3A_275 = arith.constant 0 : i32
      %parallel_loop3A_276 = arith.cmpi ne, %parallel_loop3A_274, %parallel_loop3A_275 : i32
      %parallel_loop3A_277 = arith.andi %parallel_loop3A_273, %parallel_loop3A_276 : i1
      %parallel_loop3A_278 = arith.constant 1 : i32
      %parallel_loop3A_279 = arith.subi %parallel_loop3A_258, %parallel_loop3A_278 : i32
      %parallel_loop3A_280 = arith.select %parallel_loop3A_277, %parallel_loop3A_279, %parallel_loop3A_258 : i32
      %parallel_loop3A_281 = arith.constant 32 : i32
      %parallel_loop3A_282 = arith.constant 0 : i32
      %parallel_loop3A_283 = arith.cmpi eq, %parallel_loop3A_281, %parallel_loop3A_282 : i32
      %parallel_loop3A_284 = arith.constant 1 : i32
      %parallel_loop3A_285 = arith.select %parallel_loop3A_283, %parallel_loop3A_284, %parallel_loop3A_281 : i32
      %parallel_loop3A_286 = arith.remsi %parallel_loop3A_256, %parallel_loop3A_285 : i32
      %parallel_loop3A_287 = arith.constant 0 : i32
      %parallel_loop3A_288 = arith.cmpi ne, %parallel_loop3A_286, %parallel_loop3A_287 : i32
      %parallel_loop3A_289 = arith.constant 0 : i32
      %parallel_loop3A_290 = arith.cmpi slt, %parallel_loop3A_286, %parallel_loop3A_289 : i32
      %parallel_loop3A_291 = arith.constant 0 : i32
      %parallel_loop3A_292 = arith.cmpi slt, %parallel_loop3A_285, %parallel_loop3A_291 : i32
      %parallel_loop3A_293 = arith.xori %parallel_loop3A_290, %parallel_loop3A_292 : i1
      %parallel_loop3A_294 = arith.andi %parallel_loop3A_293, %parallel_loop3A_288 : i1
      %parallel_loop3A_295 = arith.addi %parallel_loop3A_286, %parallel_loop3A_285 : i32
      %parallel_loop3A_296 = arith.select %parallel_loop3A_294, %parallel_loop3A_295, %parallel_loop3A_286 : i32
      %parallel_loop3A_297 = arith.constant 16 : i32
      %parallel_loop3A_298 = arith.muli %parallel_loop3A_296, %parallel_loop3A_297 : i32
      %parallel_loop3A_299 = arith.index_cast %parallel_loop3A_280 : i32 to index
      %parallel_loop3A_300 = arith.index_cast %parallel_loop3A_298 : i32 to index
      %parallel_loop3A_301 = tpu.vector_load %arg8[%parallel_loop3A_299, %parallel_loop3A_300] {strides = array<i32>} : memref<16x512xf32, #tpu.memory_space<vmem>>, vector<1x16xf32>,
      %parallel_loop3A_302 = vector.shape_cast %parallel_loop3A_301 : vector<1x16xf32> to vector<16xf32>
      %parallel_loop3A_303 = arith.index_cast %parallel_loop3A_280 : i32 to index
      %parallel_loop3A_304 = arith.index_cast %parallel_loop3A_298 : i32 to index
      %parallel_loop3A_305 = tpu.vector_load %arg7[%parallel_loop3A_303, %parallel_loop3A_304] {strides = array<i32>} : memref<16x512xf32, #tpu.memory_space<vmem>>, vector<1x16xf32>,
      %parallel_loop3A_306 = vector.shape_cast %parallel_loop3A_305 : vector<1x16xf32> to vector<16xf32>
      %parallel_loop3A_307 = arith.addf %parallel_loop3A_302, %parallel_loop3A_306 : vector<16xf32>
      %parallel_loop3A_308 = arith.index_cast %parallel_loop3A_280 : i32 to index
      %parallel_loop3A_309 = arith.index_cast %parallel_loop3A_298 : i32 to index
      %parallel_loop3A_310 = tpu.vector_load %arg8[%parallel_loop3A_308, %parallel_loop3A_309] {strides = array<i32>} : memref<16x512xf32, #tpu.memory_space<vmem>>, vector<1x16xf32>,
      %parallel_loop3A_311 = vector.shape_cast %parallel_loop3A_310 : vector<1x16xf32> to vector<16xf32>
      %parallel_loop3A_312 = vector.shape_cast %parallel_loop3A_307 : vector<16xf32> to vector<1x16xf32>
      tpu.vector_store %arg8[%parallel_loop3A_308, %parallel_loop3A_309], %parallel_loop3A_312 {strides = array<i32>} : memref<16x512xf32, #tpu.memory_space<vmem>>, vector<1x16xf32>,
    } {sc.loop_unroll_factor = 8 : i64, sc.parallel_access}
    %dma_start3A_225 = arith.constant 6 : i32
    %dma_start3A_226 = arith.constant 0 : i32
    %dma_start3A_227 = tpu.memref_slice %arg4[%dma_start3A_225, %mul3A_2, %dma_start3A_226] : memref<8x512x512xf32, #tpu.memory_space<hbm>> -> memref<1x16x512xf32, #tpu.memory_space<hbm>>
    %dma_start3A_228 = tpu.memref_squeeze %dma_start3A_227 : memref<1x16x512xf32, #tpu.memory_space<hbm>> -> memref<16x512xf32, #tpu.memory_space<hbm>>
    %dma_start3A_229 = arith.constant 0 : i32
    %dma_start3A_230 = tpu.memref_slice %arg4[%dma_start3A_225, %mul3A_2, %dma_start3A_229] : memref<8x512x512xf32, #tpu.memory_space<hbm>> -> memref<1x16x512xf32, #tpu.memory_space<hbm>>
    %dma_start3A_231 = tpu.memref_squeeze %dma_start3A_230 : memref<1x16x512xf32, #tpu.memory_space<hbm>> -> memref<16x512xf32, #tpu.memory_space<hbm>>
    tpu.enqueue_dma source(%arg8 : memref<16x512xf32, #tpu.memory_space<vmem>>) target(%dma_start3A_231 : memref<16x512xf32, #tpu.memory_space<hbm>>) target_semaphore(%arg12 : memref<!tpu.dma_semaphore, #tpu.memory_space<semaphore_mem>>)
    %dma_wait3A_232 = arith.constant 7 : i32
    %dma_wait3A_233 = arith.constant 0 : i32
    %dma_wait3A_234 = tpu.memref_slice %arg2[%dma_wait3A_232, %mul3A_2, %dma_wait3A_233] : memref<8x512x512xf32, #tpu.memory_space<hbm>> -> memref<1x16x512xf32, #tpu.memory_space<hbm>>
    %dma_wait3A_235 = tpu.memref_squeeze %dma_wait3A_234 : memref<1x16x512xf32, #tpu.memory_space<hbm>> -> memref<16x512xf32, #tpu.memory_space<hbm>>
    %dma_wait3A_236 = arith.constant 0 : i32
    %dma_wait3A_237 = tpu.memref_slice %arg2[%dma_wait3A_232, %mul3A_2, %dma_wait3A_236] : memref<8x512x512xf32, #tpu.memory_space<hbm>> -> memref<1x16x512xf32, #tpu.memory_space<hbm>>
    %dma_wait3A_238 = tpu.memref_squeeze %dma_wait3A_237 : memref<1x16x512xf32, #tpu.memory_space<hbm>> -> memref<16x512xf32, #tpu.memory_space<hbm>>
    tpu.wait_dma2 semaphore(%arg11 : memref<!tpu.dma_semaphore, #tpu.memory_space<semaphore_mem>>) src(%dma_wait3A_238 : memref<16x512xf32, #tpu.memory_space<hbm>>) dst(%arg9 : memref<16x512xf32, #tpu.memory_space<vmem>>)
    %parallel_loop3A_239 = arith.constant 0 : i32
    %parallel_loop3A_240 = arith.constant 512 : i32
    %parallel_loop3A_241 = arith.constant 1 : i32
    scf.for %parallel_loop3A_256 = %parallel_loop3A_239 to %parallel_loop3A_240 step %parallel_loop3A_241  : i32 {
      %parallel_loop3A_257 = arith.constant 32 : i32
      %parallel_loop3A_258 = arith.divsi %parallel_loop3A_256, %parallel_loop3A_257 : i32
      %parallel_loop3A_259 = arith.constant 0 : i32
      %parallel_loop3A_260 = arith.cmpi sgt, %parallel_loop3A_256, %parallel_loop3A_259 : i32
      %parallel_loop3A_261 = arith.extui %parallel_loop3A_260 : i1 to i32
      %parallel_loop3A_262 = arith.constant 0 : i32
      %parallel_loop3A_263 = arith.cmpi slt, %parallel_loop3A_256, %parallel_loop3A_262 : i32
      %parallel_loop3A_264 = arith.extui %parallel_loop3A_263 : i1 to i32
      %parallel_loop3A_265 = arith.subi %parallel_loop3A_261, %parallel_loop3A_264 : i32
      %parallel_loop3A_266 = arith.constant 0 : i32
      %parallel_loop3A_267 = arith.cmpi sgt, %parallel_loop3A_257, %parallel_loop3A_266 : i32
      %parallel_loop3A_268 = arith.extui %parallel_loop3A_267 : i1 to i32
      %parallel_loop3A_269 = arith.constant 0 : i32
      %parallel_loop3A_270 = arith.cmpi slt, %parallel_loop3A_257, %parallel_loop3A_269 : i32
      %parallel_loop3A_271 = arith.extui %parallel_loop3A_270 : i1 to i32
      %parallel_loop3A_272 = arith.subi %parallel_loop3A_268, %parallel_loop3A_271 : i32
      %parallel_loop3A_273 = arith.cmpi ne, %parallel_loop3A_265, %parallel_loop3A_272 : i32
      %parallel_loop3A_274 = arith.remsi %parallel_loop3A_256, %parallel_loop3A_257 : i32
      %parallel_loop3A_275 = arith.constant 0 : i32
      %parallel_loop3A_276 = arith.cmpi ne, %parallel_loop3A_274, %parallel_loop3A_275 : i32
      %parallel_loop3A_277 = arith.andi %parallel_loop3A_273, %parallel_loop3A_276 : i1
      %parallel_loop3A_278 = arith.constant 1 : i32
      %parallel_loop3A_279 = arith.subi %parallel_loop3A_258, %parallel_loop3A_278 : i32
      %parallel_loop3A_280 = arith.select %parallel_loop3A_277, %parallel_loop3A_279, %parallel_loop3A_258 : i32
      %parallel_loop3A_281 = arith.constant 32 : i32
      %parallel_loop3A_282 = arith.constant 0 : i32
      %parallel_loop3A_283 = arith.cmpi eq, %parallel_loop3A_281, %parallel_loop3A_282 : i32
      %parallel_loop3A_284 = arith.constant 1 : i32
      %parallel_loop3A_285 = arith.select %parallel_loop3A_283, %parallel_loop3A_284, %parallel_loop3A_281 : i32
      %parallel_loop3A_286 = arith.remsi %parallel_loop3A_256, %parallel_loop3A_285 : i32
      %parallel_loop3A_287 = arith.constant 0 : i32
      %parallel_loop3A_288 = arith.cmpi ne, %parallel_loop3A_286, %parallel_loop3A_287 : i32
      %parallel_loop3A_289 = arith.constant 0 : i32
      %parallel_loop3A_290 = arith.cmpi slt, %parallel_loop3A_286, %parallel_loop3A_289 : i32
      %parallel_loop3A_291 = arith.constant 0 : i32
      %parallel_loop3A_292 = arith.cmpi slt, %parallel_loop3A_285, %parallel_loop3A_291 : i32
      %parallel_loop3A_293 = arith.xori %parallel_loop3A_290, %parallel_loop3A_292 : i1
      %parallel_loop3A_294 = arith.andi %parallel_loop3A_293, %parallel_loop3A_288 : i1
      %parallel_loop3A_295 = arith.addi %parallel_loop3A_286, %parallel_loop3A_285 : i32
      %parallel_loop3A_296 = arith.select %parallel_loop3A_294, %parallel_loop3A_295, %parallel_loop3A_286 : i32
      %parallel_loop3A_297 = arith.constant 16 : i32
      %parallel_loop3A_298 = arith.muli %parallel_loop3A_296, %parallel_loop3A_297 : i32
      %parallel_loop3A_299 = arith.index_cast %parallel_loop3A_280 : i32 to index
      %parallel_loop3A_300 = arith.index_cast %parallel_loop3A_298 : i32 to index
      %parallel_loop3A_301 = tpu.vector_load %arg9[%parallel_loop3A_299, %parallel_loop3A_300] {strides = array<i32>} : memref<16x512xf32, #tpu.memory_space<vmem>>, vector<1x16xf32>,
      %parallel_loop3A_302 = vector.shape_cast %parallel_loop3A_301 : vector<1x16xf32> to vector<16xf32>
      %parallel_loop3A_303 = arith.index_cast %parallel_loop3A_280 : i32 to index
      %parallel_loop3A_304 = arith.index_cast %parallel_loop3A_298 : i32 to index
      %parallel_loop3A_305 = tpu.vector_load %arg7[%parallel_loop3A_303, %parallel_loop3A_304] {strides = array<i32>} : memref<16x512xf32, #tpu.memory_space<vmem>>, vector<1x16xf32>,
      %parallel_loop3A_306 = vector.shape_cast %parallel_loop3A_305 : vector<1x16xf32> to vector<16xf32>
      %parallel_loop3A_307 = arith.addf %parallel_loop3A_302, %parallel_loop3A_306 : vector<16xf32>
      %parallel_loop3A_308 = arith.index_cast %parallel_loop3A_280 : i32 to index
      %parallel_loop3A_309 = arith.index_cast %parallel_loop3A_298 : i32 to index
      %parallel_loop3A_310 = tpu.vector_load %arg9[%parallel_loop3A_308, %parallel_loop3A_309] {strides = array<i32>} : memref<16x512xf32, #tpu.memory_space<vmem>>, vector<1x16xf32>,
      %parallel_loop3A_311 = vector.shape_cast %parallel_loop3A_310 : vector<1x16xf32> to vector<16xf32>
      %parallel_loop3A_312 = vector.shape_cast %parallel_loop3A_307 : vector<16xf32> to vector<1x16xf32>
      tpu.vector_store %arg9[%parallel_loop3A_308, %parallel_loop3A_309], %parallel_loop3A_312 {strides = array<i32>} : memref<16x512xf32, #tpu.memory_space<vmem>>, vector<1x16xf32>,
    } {sc.loop_unroll_factor = 8 : i64, sc.parallel_access}
    %dma_start3A_242 = arith.constant 7 : i32
    %dma_start3A_243 = arith.constant 0 : i32
    %dma_start3A_244 = tpu.memref_slice %arg4[%dma_start3A_242, %mul3A_2, %dma_start3A_243] : memref<8x512x512xf32, #tpu.memory_space<hbm>> -> memref<1x16x512xf32, #tpu.memory_space<hbm>>
    %dma_start3A_245 = tpu.memref_squeeze %dma_start3A_244 : memref<1x16x512xf32, #tpu.memory_space<hbm>> -> memref<16x512xf32, #tpu.memory_space<hbm>>
    %dma_start3A_246 = arith.constant 0 : i32
    %dma_start3A_247 = tpu.memref_slice %arg4[%dma_start3A_242, %mul3A_2, %dma_start3A_246] : memref<8x512x512xf32, #tpu.memory_space<hbm>> -> memref<1x16x512xf32, #tpu.memory_space<hbm>>
    %dma_start3A_248 = tpu.memref_squeeze %dma_start3A_247 : memref<1x16x512xf32, #tpu.memory_space<hbm>> -> memref<16x512xf32, #tpu.memory_space<hbm>>
    tpu.enqueue_dma source(%arg9 : memref<16x512xf32, #tpu.memory_space<vmem>>) target(%dma_start3A_248 : memref<16x512xf32, #tpu.memory_space<hbm>>) target_semaphore(%arg13 : memref<!tpu.dma_semaphore, #tpu.memory_space<semaphore_mem>>)
    %dma_wait3A_249 = arith.constant 7 : i32
    %dma_wait3A_250 = arith.constant 0 : i32
    %dma_wait3A_251 = tpu.memref_slice %arg4[%dma_wait3A_249, %mul3A_2, %dma_wait3A_250] : memref<8x512x512xf32, #tpu.memory_space<hbm>> -> memref<1x16x512xf32, #tpu.memory_space<hbm>>
    %dma_wait3A_252 = tpu.memref_squeeze %dma_wait3A_251 : memref<1x16x512xf32, #tpu.memory_space<hbm>> -> memref<16x512xf32, #tpu.memory_space<hbm>>
    %dma_wait3A_253 = arith.constant 0 : i32
    %dma_wait3A_254 = tpu.memref_slice %arg4[%dma_wait3A_249, %mul3A_2, %dma_wait3A_253] : memref<8x512x512xf32, #tpu.memory_space<hbm>> -> memref<1x16x512xf32, #tpu.memory_space<hbm>>
    %dma_wait3A_255 = tpu.memref_squeeze %dma_wait3A_254 : memref<1x16x512xf32, #tpu.memory_space<hbm>> -> memref<16x512xf32, #tpu.memory_space<hbm>>
    tpu.wait_dma2 semaphore(%arg13 : memref<!tpu.dma_semaphore, #tpu.memory_space<semaphore_mem>>) src(%arg9 : memref<16x512xf32, #tpu.memory_space<vmem>>) dst(%dma_wait3A_255 : memref<16x512xf32, #tpu.memory_space<hbm>>)
    return
  }
}

</mosaic_0001>

<sc_bundles>
// kernel: kernel.3.cloned.1.call-start
scs
__scs_entry_jumppad:
0x0: {  	(pc) =	sbr.rel $0x88, $3  }
0x1: {  	(tag) =	ssettag $0x0;
	lr =	simm.s32 $0x1  }
0x2: {  	[smem:$0x3F9F] =	sst lr;
	_ =	strace $0xD0000000  }
0x3: {  	_ = 	snop  }
0x4: {  	_ = 	snop  }
0x5: {  	_ = 	snop  }
0x6: {  	_ = 	snop  }
0x7: {  	_ = 	snop  }
__scs_overlays_trampoline_lowered:
0x8: {  	[smem:$0x3FAE] =	sst s0  }
0x9: {  	[smem:$0x3FAF] =	sst s1  }
0xa: {  	[smem:$0x3FB0] =	sst s2  }
0xb: {  	[smem:$0x3FB1] =	sst s3  }
0xc: {  	[smem:$0x3FB2] =	sst s4  }
0xd: {  	[smem:$0x3FB3] =	sst s5  }
0xe: {  	[smem:$0x3FB4] =	sst s6  }
0xf: {  	[smem:$0x3FB5] =	sst s7  }
0x10: {  	[smem:$0x3FB6] =	sst s8  }
0x11: {  	[smem:$0x3FB7] =	sst s9;
	s0 =	simm.s32 @!p0 $0x0  }
0x12: {  	s1 =	sld [smem:$0x3F9D];
	s0 =	simm.s32 @p0 $0x1  }
0x13: {  	[smem:$0x3FB8] =	sst s0;
	s0 =	simm.s32 @!p1 $0x0  }
0x14: {  	s2 =	sld [smem:$0x3F9C];
	s0 =	simm.s32 @p1 $0x1  }
0x15: {  	[smem:$0x3FB9] =	sst s0;
	s0 =	simm.s32 @!p2 $0x0  }
0x16: {  	s3 =	sld [smem:$0x3FDB];
	s0 =	simm.s32 @p2 $0x1  }
0x17: {  	s4 =	simm.s32 $0x1BF5;
	[smem:$0x3FBB] =	sst s0  }
0x18: {  	s0 =	sld [smem:$0x3F9E];
	_ =	swait.ge [sflag:s4], $0x0  }
0x19: {  	s7 =	sld [smem:$0x3F9F]  }
0x1a: {  	s8 =	sadd.s32 $0xFFFFE003, lr  }
0x1b: {  	s9 =	sadd.s32 $0xFFFFFEF7, lr;
	s5 =	simm.s32 $0xFFFFFFFF;
	p2 =	slt.u32 s8, $0xFFFFF086  }
0x1c: {  	p1 =	slt.u32 s9, $0xF7A;
	s5 =	simm.s32 @!p2 $0x0  }
0x1d: {  	s5 =	simm.s32 @p1 $0x1;
	p0 =	seq.s32 s7, s2  }
0x1e: {  	s7 =	smul.u32 @!p0 $0xF7A, s2;
	p2 =	seq.s32 @!p0 s5, $0x0  }
0x1f: {  	s9 =	smul.u32 $0xF7A, s1;
	s8 =	simm.s32 @!p0 $0x1BF5;
	p2 =	por !p2, p0  }
0x20: {  	[sflag:s8] =	ssyncset.s32 @!p0 $0xFFFFF086;
	s6 =	sadd.s32 @!p0 s3, s7;
	s7 =	simm.s32 @!p0 $0x108  }
0x21: {  	s3 =	sadd.s32 s3, s9;
	s6 =	sadd.s32 @!p0 $0x88, s6;
	s7 =	simm.s32 @p2 $0x1082  }
0x22: {  	[simem:s7], [sflag:s8] =	dma.local @!p0 [hbm:s6], $0xF7A  }
0x23: {  	s9 =	sor.u32 $0xD0000000, s2;
	s6 =	simm.s32 $0x108;
	_ =	swait.ge @!p0 [sflag:s8], $0x0  }
0x24: {  	s3 =	sadd.s32 $0x88, s3;
	s6 =	simm.s32 @!p1 $0x1082;
	[sflag:s4] =	ssyncset.s32 $0xFFFFF086  }
0x25: {  	[simem:s6], [sflag:s4] =	dma.local [hbm:s3], $0xF7A  }
0x26: {  	[smem:$0x3F9F] =	sst s1;
	(tag) =	ssettag s2;
	_ =	strace s9  }
0x27: {  	s1 =	sld [smem:$0x3FAF]  }
0x28: {  	s2 =	sld [smem:$0x3FB0]  }
0x29: {  	s4 =	sld [smem:$0x3FB2]  }
0x2a: {  	p0 =	seq.s32 s5, $0x0;
	s5 =	sld [smem:$0x3FB3]  }
0x2b: {  	s6 =	sld [smem:$0x3FB4]  }
0x2c: {  	s7 =	sld [smem:$0x3FB5]  }
0x2d: {  	s3 =	simm.s32 $0x108;
	s8 =	sld [smem:$0x3FB6]  }
0x2e: {  	s3 =	simm.s32 @!p0 $0x1082;
	s9 =	sld [smem:$0x3FB7]  }
0x2f: {  	lr =	sadd.s32 s0, s3;
	s0 =	sld [smem:$0x3FAE]  }
0x30: {  	s3 =	sld [smem:$0x3FB1]  }
0x31: {  	[smem:$0x3FBA] =	sst s10  }
0x32: {  	s10 =	sld [smem:$0x3FB8];
	_ =	sdelay $0x3  }
0x33: {  	p0 =	seq.s32 s10, $0x1;
	s10 =	sld [smem:$0x3FBA];
	_ =	sdelay $0x3  }
0x34: {  	[smem:$0x3FBA] =	sst s10  }
0x35: {  	s10 =	sld [smem:$0x3FB9];
	_ =	sdelay $0x3  }
0x36: {  	p1 =	seq.s32 s10, $0x1;
	s10 =	sld [smem:$0x3FBA];
	_ =	sdelay $0x3  }
0x37: {  	[smem:$0x3FBA] =	sst s10  }
0x38: {  	s10 =	sld [smem:$0x3FBB]  }
0x39: {  	_ = 	snop;
	(pc) =	sbr.ind lr, $3  }
0x3a: {  	_ = 	snop  }
0x3b: {  	_ = 	snop  }
0x3c: {  	p2 =	seq.s32 s10, $0x1;
	s10 =	sld [smem:$0x3FBA]  }
0x3d: {  	_ =	shalt  }
0x3e: {  	_ =	shalt  }
0x3f: {  	_ =	shalt  }
0x40: {  	_ =	shalt  }
0x41: {  	_ =	shalt  }
0x42: {  	_ =	shalt  }
0x43: {  	_ =	shalt  }
0x44: {  	_ =	shalt  }
0x45: {  	_ =	shalt  }
0x46: {  	_ =	shalt  }
0x47: {  	_ =	shalt  }
0x48: {  	_ =	shalt  }
0x49: {  	_ =	shalt  }
0x4a: {  	_ =	shalt  }
0x4b: {  	_ =	shalt  }
0x4c: {  	_ =	shalt  }
0x4d: {  	_ =	shalt  }
0x4e: {  	_ =	shalt  }
0x4f: {  	_ =	shalt  }
0x50: {  	_ =	shalt  }
0x51: {  	_ =	shalt  }
0x52: {  	_ =	shalt  }
0x53: {  	_ =	shalt  }
0x54: {  	_ =	shalt  }
0x55: {  	_ =	shalt  }
0x56: {  	_ =	shalt  }
0x57: {  	_ =	shalt  }
0x58: {  	_ =	shalt  }
0x59: {  	_ =	shalt  }
0x5a: {  	_ =	shalt  }
0x5b: {  	_ =	shalt  }
0x5c: {  	_ =	shalt  }
0x5d: {  	_ =	shalt  }
0x5e: {  	_ =	shalt  }
0x5f: {  	_ =	shalt  }
0x60: {  	_ =	shalt  }
0x61: {  	_ =	shalt  }
0x62: {  	_ =	shalt  }
0x63: {  	_ =	shalt  }
0x64: {  	_ =	shalt  }
0x65: {  	_ =	shalt  }
0x66: {  	_ =	shalt  }
0x67: {  	_ =	shalt  }
0x68: {  	_ =	shalt  }
0x69: {  	_ =	shalt  }
0x6a: {  	_ =	shalt  }
0x6b: {  	_ =	shalt  }
0x6c: {  	_ =	shalt  }
0x6d: {  	_ =	shalt  }
0x6e: {  	_ =	shalt  }
0x6f: {  	_ =	shalt  }
0x70: {  	_ =	shalt  }
0x71: {  	_ =	shalt  }
0x72: {  	_ =	shalt  }
0x73: {  	_ =	shalt  }
0x74: {  	_ =	shalt  }
0x75: {  	_ =	shalt  }
0x76: {  	_ =	shalt  }
0x77: {  	_ =	shalt  }
0x78: {  	_ =	shalt  }
0x79: {  	_ =	shalt  }
0x7a: {  	_ =	shalt  }
0x7b: {  	_ =	shalt  }
0x7c: {  	_ =	shalt  }
0x7d: {  	_ =	shalt  }
0x7e: {  	_ =	shalt  }
0x7f: {  	_ =	shalt  }
0x80: {  	_ =	shalt  }
0x81: {  	_ =	shalt  }
0x82: {  	_ =	shalt  }
0x83: {  	_ =	shalt  }
0x84: {  	_ =	shalt  }
0x85: {  	_ =	shalt  }
0x86: {  	_ =	shalt  }
0x87: {  	_ =	shalt  }
.Lfunc_end0:
.L_simem_size_0:
called_computation_lowered:
.L_overlay_start_0:
0x88: {  	s2 =	sld [smem:$0x3FD9]  }
0x89: {  	s3 =	sld [smem:$0x3FFE];
	_ =	sdelay $0x1  }
0x8a: {  	s1 =	srdreg.scid  }
0x8b: {  	s0 =	sand.u32 $0x1, s1  }
0x8c: {  	s18 =	sshll.u32 s0, $0xA;
	s2 =	sadd.s32 s3, s2  }
0x8d: {  	s2 =	sadd.s32 s2, s18  }
0x8e: {  	[smem:$0x3FC6] =	sst s2  }
0x8f: {  	_ = 	snop  }
0x90: {  	s2 =	sld [smem:$0x3FC9]  }
0x91: {  	s19 =	sld [smem:$0x3FC8]  }
0x92: {  	s4 =	sld [smem:$0x3FD0];
	(tm) =	ssettm $0x1  }
0x93: {  	s5 =	sld [smem:$0x3FFB];
	_ =	sdelay $0x3  }
0x94: {  	_ =	strace s5  }
0x95: {  	s5 =	sld [smem:$0x3FFC];
	_ =	sdelay $0x3  }
0x96: {  	_ =	strace s5  }
0x97: {  	s5 =	sld [smem:$0x3FFD];
	_ =	sdelay $0x3  }
0x98: {  	_ =	strace s5  }
0x99: {  	_ =	strace $0x8FFFFFFF  }
0x9a: {  	s20 =	sld [smem:$0x3FDB];
	_ =	sdelay $0x1  }
0x9b: {  	s6 =	simm.s32 $_scs_section_size  }
0x9c: {  	s7 =	simm.s32 $_size__tile_overlayer_lowered;
	s8 =	simm.s32 $_tile_overlayer_lowered  }
0x9d: {  	s23 =	simm.s32 $0x1BFF;
	s22 =	sshll.u32 s8, $0x1;
	s5 =	sadd.s32 s6, s20  }
0x9e: {  	s9 =	simm.s32 $0x0;
	s21 =	sshll.u32 s7, $0x1;
	s7 =	sadd.s32 s22, s5  }
0x9f: {  	[timem:s9], [sflag:s23] =	dma.local [hbm:s7], s21  }
0xa0: {  	_ =	swait.ge [sflag:s23], s21  }
0xa1: {  	s6 =	ssub.s32 $0x0, s21;
	[sflag:s23] =	ssyncset.done $0x0  }
0xa2: {  	[sflag:s23] =	ssyncadd.s32 s6;
	_ =	sdelay $0x1  }
0xa3: {  	s24 =	simm.s32 $0x1B8B  }
0xa4: {  	_ =	swait.ge [sflag:s24], $0x1  }
0xa5: {  	[sflag:s24] =	ssyncset.done $0x0  }
0xa6: {  	s25 =	simm.s32 $0x1B8E;
	[sflag:s24] =	ssyncadd.s32 $0xFFFFFFFF  }
0xa7: {  	s26 =	simm.s32 $execute0_lowered;
	[smem:$0x3FD2] =	sst s25  }
0xa8: {  	s6 =	sshll.u32 s26, $0x1;
	_ =	strace $0x80000046;
	[dreg:$0x1] =	wrdreg $0xFFFFFFFF  }
0xa9: {  	s28 =	simm.s32 $_size_execute0_lowered;
	s5 =	sadd.s32 s5, s6;
	[dreg:$0x0] =	wrdreg $0x0  }
0xaa: {  	s6 =	sshll.u32 s28, $0x1;
	[dreg:$0x2] =	wrdreg s5  }
0xab: {  	[dreg:$0x3] =	wrdreg s6  }
0xac: {  	[dreg:$0x4] =	wrdreg $0xC0  }
0xad: {  	_ =	task [dreg:s9], $0x5FFFF  }
0xae: {  	[dreg:$0x1] =	wrdreg $0xFFFFFFFF  }
0xaf: {  	[dreg:$0x0] =	wrdreg $0x60  }
0xb0: {  	[dreg:$0x2] =	wrdreg s2  }
0xb1: {  	[dreg:$0x3] =	wrdreg s19  }
0xb2: {  	[dreg:$0x4] =	wrdreg s4  }
0xb3: {  	[dreg:$0x5] =	wrdreg $0x9  }
0xb4: {  	_ =	task.clear_ibuf [dreg:s9], $0x6FFFF;
	_ =	strace $0x90000046  }
0xb5: {  	s29 =	simm.s32 $0x9;
	_ =	strace $0x80000048  }
0xb6: {  	_ =	swait.ge [sflag:s29], $0x1  }
0xb7: {  	[sflag:s29] =	ssyncadd.s32 $0xFFFFFFFF  }
0xb8: {  	_ =	strace $0x90000048  }
0xb9: {  	_ =	sfence  }
0xba: {  	s30 =	sld [smem:$0x0];
	_ =	sdelay $0x2  }
0xbb: {  	s31 =	sshll.u32 s1, $0xD;
	s1 =	sshrl.u32 s1, $0x2  }
0xbc: {  	s3 =	sand.u32 $0x4000, s31;
	s1 =	sadd.s32 s1, s30  }
0xbd: {  	s0 =	sor.u32 s3, s0;
	s1 =	sshll.u32 s1, $0x11  }
0xbe: {  	s0 =	sor.u32 s1, s0  }
0xbf: {  	s0 =	sadd.s32 $0x8F2B, s0  }
0xc0: {  	[sflag:s0] =	ssyncadd.remote.s32 $0x1  }
0xc1: {  	_ =	sfence.sel $0xFFFF  }
0xc2: {  	[dreg:$0x0] =	wrdreg $0xFFFFFFFF;
	(pc) =	sbr.abs _section_cstart, $3  }
0xc3: {  	[dreg:$0x1] =	wrdreg $0xFFFFFFFF  }
0xc4: {  	_ =	task.clear_ibuf [dreg:s9], $0x2FFFF;
	_ =	strace $0x9FFFFFFF  }
0xc5: {  	(tm) =	ssettm $0x7FFFFFFF  }
tec
execute0_lowered:
.L_overlay_start_1:
0x0: {  	(tag) =	ssettag $0x1  }
0x1: {  	s0 =	rddreg [dreg:$0x0]  }
0x2: {  	s2 =	rddreg [dreg:$0x2];
	s1 =	srdreg.scid  }
0x3: {  	s3 =	stileid.u32;
	s7 =	simm.s32 $0x0;
	s28 =	simm.s32 $0x2  }
0x4: {  	s29 =	simm.s32 $0x4;
	s30 =	simm.s32 $0x0;
	s1 =	sand.u32 $0x1, s1  }
0x5: {  	s3 =	sshll.u32 s3, $0x5;
	s4 =	sshll.u32 s1, $0x4;
	s5 =	ssub.s32 $0x2, s1  }
0x6: {  	[smem:$0x7FF] =	sst s7;
	s1 =	sor.u32 s4, s3;
	s19 =	sshrl.u32 s5, $0x1  }
0x7: {  	_ =	strace $0x80000047;
	s4 =	sshll.u32 s1, $0x6;
	s3 =	ssub.s32 s5, s19  }
0x8: {  	s20 =	sadd.s32 s0, s4;
	s21 =	sor.u32 $0x8000, s4;
	s22 =	sadd.s32 s2, s4  }
0x9: {  	s23 =	sor.u32 $0x10000, s4;
	s24 =	sor.u32 $0x18000, s4;
	s25 =	sor.u32 $0x20000, s4  }
0xa: {  	s26 =	sor.u32 $0x28000, s4;
	s31 =	sor.u32 $0x30000, s4;
	[dreg:$0x4] =	wrdreg s20  }
0xb: {  	s4 =	sor.u32 $0x38000, s4;
	s6 =	sadd.s32 s0, s21;
	[dreg:$0x6] =	wrdreg s22  }
0xc: {  	s8 =	sadd.s32 s0, s23;
	s9 =	sadd.s32 s2, s21;
	s10 =	sadd.s32 s0, s24  }
0xd: {  	s11 =	sadd.s32 s2, s23;
	s12 =	sadd.s32 s0, s25;
	s13 =	sadd.s32 s2, s24  }
0xe: {  	s14 =	sadd.s32 s0, s26;
	s15 =	sadd.s32 s2, s25;
	s16 =	sadd.s32 s0, s31  }
0xf: {  	s17 =	sadd.s32 s2, s26;
	s18 =	sadd.s32 s0, s4;
	s19 =	sadd.s32 s2, s31  }
0x10: {  	s20 =	sadd.s32 s2, s4;
	s21 =	smax.u32 s3, $0x1;
	s22 =	simm.s32 $0x5  }
0x11: {  	s23 =	simm.s32 $0xB200;
	s24 =	simm.s32 $0xD200;
	[dreg:$0x5] =	wrdreg s6  }
0x12: {  	s25 =	simm.s32 $0x1;
	s26 =	simm.s32 $0x3;
	[dreg:$0x7] =	wrdreg s8  }
.LBB2_1:
0x13: {  	s0 =	rddreg [dreg:$0x1]  }
0x14: {  	[tilespmem:s7], [sflag:$0x5] =	stream.linear.gather [hbm4b:s0+s7], $0x9000, $0x38;
	[tilespmem:$0xF200] =	vst v63  }
0x15: {  	_ =	swait.ge [sflag:s22], $0x9000  }
0x16: {  	[sflag:s22] =	ssyncset.done $0x0  }
0x17: {  	s2 =	simm.s32 $0x8070;
	[sflag:s22] =	ssyncadd.s32 $0xFFFF7000  }
0x18: {  	v3 =	vld [tilespmem:s2+$0x0]  }
0x19: {  	v4 =	vld [tilespmem:s2+$0xFFFFFFA0]  }
0x1a: {  	v5 =	vld [tilespmem:s2+$0xFFFFFFB0]  }
0x1b: {  	v0 =	vld [tilespmem:s2+$0xFFFFFFC0]  }
0x1c: {  	s4 =	simm.s32 $0x9040;
	v1 =	vld [tilespmem:s2+$0xFFFFFFD0]  }
0x1d: {  	v2 =	vld [tilespmem:s2+$0xFFFFFFE0];
	[tilespmem:s4+$0x30] =	vst v3  }
0x1e: {  	[tilespmem:s4+$0xFFFFFFD0] =	vst v4;
	v3 =	vld [tilespmem:s2+$0xFFFFFFF0]  }
0x1f: {  	s5 =	simm.s32 $0x0;
	s6 =	simm.s32 $0x8470;
	s0 =	simm.s32 $0x200;
	v4 =	vld [tilespmem:s2+$0xFFFFFF90];
	[tilespmem:s4+$0xFFFFFFE0] =	vst v5  }
.LBB2_2:
0x20: {  	v5 =	vld [tilespmem:s6+$0x0];
	s5 =	sadd.s32 $0x8, s5;
	[tilespmem:s4+$0xFFFFFFF0] =	vst v0  }
0x21: {  	v6 =	vld [tilespmem:s6+$0xFFFFFFA0];
	p0 =	slt.u32 s5, $0x18;
	[tilespmem:s4+$0x0] =	vst v1  }
0x22: {  	v7 =	vld [tilespmem:s6+$0xFFFFFFB0];
	[tilespmem:s4+$0x10] =	vst v2  }
.Ltmp0:
0x23: {  	v0 =	vld [tilespmem:s6+$0xFFFFFFC0];
	[tilespmem:s4+$0x20] =	vst v3;
	(pc) =	sbr.rel @p0 .LBB2_2-.Ltmp0, $4  }
0x24: {  	v1 =	vld [tilespmem:s6+$0xFFFFFFD0];
	[tilespmem:s4+$0xFFFFFFC0] =	vst v4;
	s4 =	sadd.s32 $0x80, s4  }
0x25: {  	s2 =	simm.s32 $0x1;
	s3 =	simm.s32 $0x0;
	v2 =	vld [tilespmem:s6+$0xFFFFFFE0];
	[tilespmem:s4+$0x30] =	vst v5  }
0x26: {  	[tilespmem:s4+$0xFFFFFFD0] =	vst v6;
	v3 =	vld [tilespmem:s6+$0xFFFFFFF0]  }
0x27: {  	v4 =	vld [tilespmem:s6+$0xFFFFFF90];
	[tilespmem:s4+$0xFFFFFFE0] =	vst v7;
	s6 =	sadd.s32 $0x400, s6  }
0x28: {  	[tilespmem:s4+$0xFFFFFFF0] =	vst v0  }
0x29: {  	[tilespmem:s4+$0x0] =	vst v1  }
0x2a: {  	[tilespmem:s4+$0x10] =	vst v2  }
0x2b: {  	[tilespmem:s4+$0x20] =	vst v3  }
0x2c: {  	s5 =	simm.s32 $0x1;
	[tilespmem:s4+$0xFFFFFFC0] =	vst v4;
	s4 =	simm.s32 $0x0  }
.LBB2_4:
0x2d: {  	s6 =	sshll.u32 s0, $0x2;
	s7 =	sand.u32 $0x7, s2  }
0x2e: {  	s6 =	sand.u32 $0xFFFFC000, s6;
	s7 =	sshll.u32 s7, $0x9  }
0x2f: {  	s6 =	sor.u32 s7, s6  }
0x30: {  	s6 =	sshrl.u32 s6, $0x2  }
0x31: {  	s6 =	sor.u32 $0x40, s6  }
0x32: {  	s8 =	sshll.u32 s4, $0x2;
	s31 =	sand.u32 $0x7, s3;
	v1 =	vld [tilespmem:s6+$0x30]  }
0x33: {  	s7 =	sand.u32 $0xFFFFC000, s8;
	s8 =	sshll.u32 s31, $0x9;
	v3 =	vld [tilespmem:s6+$0xFFFFFFD0]  }
0x34: {  	s7 =	sor.u32 s8, s7;
	v5 =	vld [tilespmem:s6+$0xFFFFFFE0]  }
0x35: {  	s7 =	sshrl.u32 s7, $0x2;
	v7 =	vld [tilespmem:s6+$0xFFFFFFF0]  }
0x36: {  	s7 =	sor.u32 $0x40, s7;
	v9 =	vld [tilespmem:s6+$0x0]  }
0x37: {  	v2 =	vld [tilespmem:s7+$0x30]  }
0x38: {  	v4 =	vld [tilespmem:s7+$0xFFFFFFD0]  }
0x39: {  	v6 =	vld [tilespmem:s7+$0xFFFFFFE0]  }
0x3a: {  	v8 =	vld [tilespmem:s7+$0xFFFFFFF0]  }
0x3b: {  	v0 =	vld [tilespmem:s7+$0xFFFFFFC0]  }
0x3c: {  	v10 =	vld [tilespmem:s7+$0x0];
	v2 =	vadd.f32 v2, v1  }
0x3d: {  	v4 =	vadd.f32 v4, v3;
	v1 =	vld [tilespmem:s6+$0x10]  }
0x3e: {  	v5 =	vadd.f32 v6, v5;
	v3 =	vld [tilespmem:s7+$0x10];
	[tilespmem:s6+$0x30] =	vst v2  }
0x3f: {  	v6 =	vadd.f32 v8, v7;
	[tilespmem:s6+$0xFFFFFFD0] =	vst v4;
	v2 =	vld [tilespmem:s6+$0x20]  }
0x40: {  	[tilespmem:s6+$0xFFFFFFE0] =	vst v5;
	v5 =	vld [tilespmem:s7+$0x20]  }
0x41: {  	s31 =	simm.s32 $0x0;
	s8 =	sadd.s32 $0x400, s6;
	v4 =	vld [tilespmem:s6+$0xFFFFFFC0];
	[tilespmem:s6+$0xFFFFFFF0] =	vst v6;
	v6 =	vadd.f32 v10, v9  }
.LBB2_5:
0x42: {  	v7 =	vld [tilespmem:s8+$0x30];
	s7 =	sadd.s32 $0x400, s7  }
0x43: {  	s31 =	sadd.s32 $0x8, s31;
	v8 =	vld [tilespmem:s7+$0x30];
	[tilespmem:s6+$0x0] =	vst v6;
	v1 =	vadd.f32 v3, v1  }
0x44: {  	p0 =	slt.u32 s31, $0x18;
	v3 =	vld [tilespmem:s7+$0xFFFFFFC0]  }
0x45: {  	v6 =	vld [tilespmem:s8+$0xFFFFFFD0];
	[tilespmem:s6+$0x10] =	vst v1;
	v1 =	vadd.f32 v5, v2  }
0x46: {  	v2 =	vld [tilespmem:s7+$0xFFFFFFD0];
	v9 =	vadd.f32 v0, v4  }
0x47: {  	v4 =	vld [tilespmem:s8+$0xFFFFFFE0];
	[tilespmem:s6+$0x20] =	vst v1  }
0x48: {  	v1 =	vld [tilespmem:s7+$0xFFFFFFE0];
	v5 =	vadd.f32 v8, v7;
	[tilespmem:s6+$0xFFFFFFC0] =	vst v9;
	s6 =	smov.u32 s8  }
0x49: {  	v7 =	vld [tilespmem:s8+$0xFFFFFFF0];
	v0 =	vmov v3  }
0x4a: {  	v8 =	vld [tilespmem:s7+$0xFFFFFFF0];
	[tilespmem:s8+$0x30] =	vst v5  }
0x4b: {  	v2 =	vadd.f32 v2, v6;
	v6 =	vld [tilespmem:s8+$0x0]  }
0x4c: {  	v9 =	vld [tilespmem:s7+$0x0]  }
.Ltmp1:
0x4d: {  	[tilespmem:s8+$0xFFFFFFD0] =	vst v2;
	v2 =	vadd.f32 v1, v4;
	v1 =	vld [tilespmem:s8+$0x10];
	(pc) =	sbr.rel @p0 .LBB2_5-.Ltmp1, $4  }
0x4e: {  	v3 =	vld [tilespmem:s7+$0x10]  }
0x4f: {  	[tilespmem:s8+$0xFFFFFFE0] =	vst v2;
	v7 =	vadd.f32 v8, v7;
	v2 =	vld [tilespmem:s8+$0x20]  }
0x50: {  	v5 =	vld [tilespmem:s7+$0x20]  }
0x51: {  	s8 =	sadd.s32 $0x400, s8;
	v4 =	vld [tilespmem:s6+$0xFFFFFFC0];
	[tilespmem:s6+$0xFFFFFFF0] =	vst v7;
	v6 =	vadd.f32 v9, v6  }
0x52: {  	s5 =	sadd.s32 $0x1, s5  }
0x53: {  	p0 =	sne.s32 s5, $0x41  }
.Ltmp2:
0x54: {  	v1 =	vadd.f32 v3, v1;
	(pc) =	sbr.rel @p0 .LBB2_4-.Ltmp2, $4  }
0x55: {  	[tilespmem:s6+$0x0] =	vst v6;
	v2 =	vadd.f32 v5, v2  }
0x56: {  	[tilespmem:s6+$0x10] =	vst v1;
	v0 =	vadd.f32 v0, v4  }
0x57: {  	s0 =	sadd.s32 $0x200, s0;
	s2 =	sadd.s32 $0x1, s2;
	[tilespmem:s6+$0x20] =	vst v2  }
0x58: {  	s4 =	sadd.s32 $0x200, s4;
	s3 =	sadd.s32 $0x1, s3;
	s31 =	simm.s32 $0x0;
	[tilespmem:s6+$0xFFFFFFC0] =	vst v0  }
0x59: {  	s0 =	simm.s32 $0x0;
	s4 =	smov.u32 s1;
	s2 =	simm.s32 $0x0  }
.LBB2_8:
0x5a: {  	p1 =	sgt.s32 s4, $0x1E0;
	s5 =	smov.u32 s4  }
0x5b: {  	p0 =	slt.s32 s4, $0x1F;
	s3 =	smov.u32 s4;
	s5 =	simm.s32 @!p1 $0x1E0  }
0x5c: {  	s3 =	simm.s32 @!p0 $0x1F;
	s5 =	sshll.u32 s5, $0x9  }
0x5d: {  	s6 =	sshll.u32 s3, $0xB;
	s3 =	sand.u32 $0x7, s3;
	s5 =	sadd.s32 $0xFFFC4000, s5  }
0x5e: {  	s6 =	sand.u32 $0xFFFFC000, s6;
	s3 =	sshll.u32 s3, $0x9;
	s8 =	sshll.u32 s5, $0x2  }
0x5f: {  	s3 =	sor.u32 s3, s6;
	s5 =	sand.u32 $0xE00, s5;
	s6 =	sand.u32 $0xFFFFC000, s8  }
0x60: {  	s3 =	sshrl.u32 s3, $0x2;
	s5 =	sor.u32 s5, s6;
	s6 =	simm.s32 $0x9040  }
0x61: {  	v0 =	vmov s3;
	s3 =	simm.s32 $0x0;
	v2 =	vld [tilespmem:s6+$0x30]  }
0x62: {  	v5 =	vld [tilespmem:s3+$0x70]  }
0x63: {  	v6 =	vld [tilespmem:s3+$0x0]  }
0x64: {  	v7 =	vld [tilespmem:s3+$0x10]  }
0x65: {  	v9 =	vld [tilespmem:s3+$0x20]  }
0x66: {  	v11 =	vld [tilespmem:s3+$0x30]  }
0x67: {  	v12 =	vld [tilespmem:s3+$0x40]  }
0x68: {  	v13 =	vld [tilespmem:s3+$0x50]  }
0x69: {  	s5 =	sshrl.u32 s5, $0x2;
	v14 =	vld [tilespmem:s3+$0x60]  }
0x6a: {  	v15 =	vld [tilespmem:s6+$0xFFFFFFC0];
	v1 =	vmov s5;
	s5 =	sor.u32 s1, s2  }
0x6b: {  	v16 =	vld [tilespmem:s6+$0xFFFFFFD0];
	s7 =	ssub.s32 $0x1E0, s5;
	p0 =	sgt.s32 s5, $0x1F  }
0x6c: {  	v17 =	vld [tilespmem:s6+$0xFFFFFFE0];
	s5 =	simm.s32 @!p0 $0x1F;
	p0 =	sgt.s32 s7, $0x0  }
0x6d: {  	v18 =	vld [tilespmem:s6+$0xFFFFFFF0];
	s7 =	simm.s32 @!p0 $0x0;
	s5 =	sadd.s32 $0xFFFFFFE1, s5  }
0x6e: {  	v19 =	vld [tilespmem:s6+$0x0];
	s7 =	scvt.s32.f32 s7;
	s5 =	scvt.s32.f32 s5  }
0x6f: {  	v20 =	vld [tilespmem:s6+$0x10]  }
0x70: {  	v8 =	vld.idx.msk [tilespmem:v0+s3+$0x4070 ss:$0x1], $0xffff;
	v3 =	vmov s7;
	v4 =	vmov s5  }
0x71: {  	v21 =	vld.idx.msk [tilespmem:v0+s3+$0x4000 ss:$0x1], $0xffff;
	v5 =	vmul.f32 v5, v3;
	v2 =	vmul.f32 v2, v4  }
0x72: {  	v10 =	vld.idx.msk [tilespmem:v1+s3+$0x70 ss:$0x1], $0xffff  }
0x73: {  	s8 =	sand.u32 $0x7, s31;
	v22 =	vld.idx.msk [tilespmem:v0+s3+$0x4010 ss:$0x1], $0xffff;
	s7 =	sshll.u32 s0, $0x2;
	v2 =	vadd.f32 v2, v5  }
0x74: {  	v23 =	vld.idx.msk [tilespmem:v0+s3+$0x4020 ss:$0x1], $0xffff;
	s5 =	sand.u32 $0xFFFFC000, s7;
	s7 =	sshll.u32 s8, $0x9;
	v6 =	vmul.f32 v6, v3;
	v15 =	vmul.f32 v15, v4  }
0x75: {  	v24 =	vld.idx.msk [tilespmem:v0+s3+$0x4030 ss:$0x1], $0xffff;
	v7 =	vmul.f32 v7, v3;
	s5 =	sor.u32 s7, s5;
	v8 =	vadd.f32 v2, v8  }
0x76: {  	v63 =	vld.idx.msk [tilespmem:v1+s3+$0x0 ss:$0x1], $0xffff;
	v9 =	vmul.f32 v9, v3;
	s5 =	sshrl.u32 s5, $0x2;
	v6 =	vadd.f32 v15, v6;
	v15 =	vmul.f32 v17, v4  }
0x77: {  	v11 =	vmul.f32 v11, v3;
	v5 =	vld [tilespmem:s6+$0x20];
	s5 =	sadd.s32 $0x9240, s5;
	v8 =	vsub.f32 v8, v10;
	v10 =	vmul.f32 v16, v4  }
0x78: {  	v12 =	vmul.f32 v12, v3;
	v17 =	vld.idx.msk [tilespmem:v0+s3+$0x4040 ss:$0x1], $0xffff;
	v2 =	vmov s5;
	v9 =	vadd.f32 v15, v9  }
0x79: {  	v15 =	vmul.f32 v19, v4;
	v19 =	vld.idx.msk [tilespmem:v0+s3+$0x4060 ss:$0x1], $0xffff;
	v7 =	vadd.f32 v10, v7;
	v10 =	vmul.f32 v18, v4  }
0x7a: {  	v14 =	vmul.f32 v14, v3;
	v21 =	vadd.f32 v6, v21;
	v16 =	vmul.f32 v13, v3;
	v13 =	vld.idx.msk [tilespmem:v1+s3+$0x10 ss:$0x1], $0xffff  }
0x7b: {  	v25 =	vadd.f32 v15, v12;
	v18 =	vld.idx.msk [tilespmem:v0+s3+$0x4050 ss:$0x1], $0xffff;
	v10 =	vadd.f32 v10, v11;
	v11 =	vmul.f32 v20, v4  }
0x7c: {  	v12 =	vld.idx.msk [tilespmem:v1+s3+$0x30 ss:$0x1], $0xffff;
	v15 =	vadd.f32 v9, v23;
	v5 =	vmul.f32 v5, v4;
	v9 =	vmul.f32 $1.953125000e-03, v8  }
0x7d: {  	v8 =	vadd.f32 v25, v17;
	v26 =	vadd.f32 v11, v16;
	v11 =	vld.idx.msk [tilespmem:v1+s3+$0x20 ss:$0x1], $0xffff  }
0x7e: {  	v17 =	vsub.f32 v21, v63;
	v5 =	vadd.f32 v5, v14;
	[tilespmem:v2+s3+$0x30 ss:$0x1] =	vst.idx.msk $0xffff, v9;
	v9 =	vld.idx.msk [tilespmem:v1+s3+$0x60 ss:$0x1], $0xffff  }
0x7f: {  	v16 =	vadd.f32 v7, v22;
	v14 =	vadd.f32 v10, v24;
	v10 =	vld.idx.msk [tilespmem:v1+s3+$0x40 ss:$0x1], $0xffff  }
0x80: {  	s7 =	simm.s32 $0x90C0;
	s6 =	simm.s32 $0x1000;
	s5 =	simm.s32 $0x0;
	v5 =	vadd.f32 v5, v19;
	v7 =	vld.idx.msk [tilespmem:v1+s3+$0x50 ss:$0x1], $0xffff;
	v6 =	vadd.f32 v26, v18  }
.LBB2_9:
0x81: {  	s8 =	sshra.s32 s6, $0x2;
	v18 =	vld [tilespmem:s7+$0x30];
	s5 =	sadd.s32 $0x8, s5;
	v13 =	vsub.f32 v16, v13  }
0x82: {  	v11 =	vsub.f32 v15, v11;
	v16 =	vld [tilespmem:s8+$0x70];
	p0 =	slt.u32 s5, $0x18;
	v17 =	vmul.f32 $1.953125000e-03, v17  }
0x83: {  	v12 =	vsub.f32 v14, v12;
	v15 =	vld [tilespmem:s8+$0x0];
	v13 =	vmul.f32 $1.953125000e-03, v13  }
0x84: {  	v11 =	vmul.f32 $1.953125000e-03, v11;
	v8 =	vsub.f32 v8, v10;
	v14 =	vld [tilespmem:s8+$0x10];
	[tilespmem:v2+s3+$0xFFFFFFC0 ss:$0x1] =	vst.idx.msk $0xffff, v17  }
0x85: {  	v12 =	vmul.f32 $1.953125000e-03, v12;
	v6 =	vsub.f32 v6, v7;
	v10 =	vld.idx.msk [tilespmem:v0+s8+$0x4070 ss:$0x1], $0xffff;
	[tilespmem:v2+s3+$0xFFFFFFD0 ss:$0x1] =	vst.idx.msk $0xffff, v13  }
0x86: {  	v8 =	vmul.f32 $1.953125000e-03, v8;
	v5 =	vsub.f32 v5, v9;
	v7 =	vld [tilespmem:s8+$0x20];
	[tilespmem:v2+s3+$0xFFFFFFE0 ss:$0x1] =	vst.idx.msk $0xffff, v11  }
0x87: {  	v11 =	vmul.f32 v18, v4;
	v9 =	vmul.f32 v16, v3;
	v13 =	vld.idx.msk [tilespmem:v1+s8+$0x70 ss:$0x1], $0xffff;
	[tilespmem:v2+s3+$0xFFFFFFF0 ss:$0x1] =	vst.idx.msk $0xffff, v12  }
0x88: {  	v6 =	vmul.f32 $1.953125000e-03, v6;
	v12 =	vmul.f32 v15, v3;
	v15 =	vld [tilespmem:s8+$0x30];
	[tilespmem:v2+s3+$0x0 ss:$0x1] =	vst.idx.msk $0xffff, v8  }
0x89: {  	v5 =	vmul.f32 $1.953125000e-03, v5;
	v8 =	vmul.f32 v14, v3;
	v14 =	vld [tilespmem:s8+$0x40];
	v9 =	vadd.f32 v11, v9  }
0x8a: {  	v11 =	vld [tilespmem:s8+$0x50];
	[tilespmem:v2+s3+$0x10 ss:$0x1] =	vst.idx.msk $0xffff, v6  }
0x8b: {  	v6 =	vmul.f32 v7, v3;
	v7 =	vld [tilespmem:s8+$0x60];
	v9 =	vadd.f32 v9, v10;
	[tilespmem:v2+s3+$0x20 ss:$0x1] =	vst.idx.msk $0xffff, v5;
	s3 =	smov.u32 s8  }
0x8c: {  	v5 =	vld [tilespmem:s7+$0xFFFFFFC0]  }
0x8d: {  	v10 =	vld [tilespmem:s7+$0xFFFFFFD0];
	v15 =	vmul.f32 v15, v3;
	v9 =	vsub.f32 v9, v13  }
0x8e: {  	v13 =	vld [tilespmem:s7+$0xFFFFFFE0];
	v14 =	vmul.f32 v14, v3  }
0x8f: {  	v16 =	vld [tilespmem:s7+$0xFFFFFFF0];
	v11 =	vmul.f32 v11, v3;
	v9 =	vmul.f32 $1.953125000e-03, v9  }
0x90: {  	v17 =	vld [tilespmem:s7+$0x0];
	v7 =	vmul.f32 v7, v3  }
0x91: {  	v5 =	vmul.f32 v5, v4;
	v18 =	vld [tilespmem:s7+$0x10];
	[tilespmem:v2+s3+$0x30 ss:$0x1] =	vst.idx.msk $0xffff, v9  }
0x92: {  	v9 =	vmul.f32 v10, v4;
	v10 =	vld [tilespmem:s7+$0x20]  }
0x93: {  	v5 =	vadd.f32 v5, v12;
	v12 =	vld.idx.msk [tilespmem:v0+s3+$0x4000 ss:$0x1], $0xffff;
	v13 =	vmul.f32 v13, v4  }
0x94: {  	v8 =	vadd.f32 v9, v8;
	v9 =	vld.idx.msk [tilespmem:v0+s3+$0x4010 ss:$0x1], $0xffff;
	v16 =	vmul.f32 v16, v4  }
0x95: {  	v6 =	vadd.f32 v13, v6;
	v19 =	vld.idx.msk [tilespmem:v0+s3+$0x4020 ss:$0x1], $0xffff;
	v13 =	vmul.f32 v17, v4  }
0x96: {  	v17 =	vadd.f32 v16, v15;
	v20 =	vld.idx.msk [tilespmem:v0+s3+$0x4030 ss:$0x1], $0xffff;
	v15 =	vmul.f32 v18, v4  }
0x97: {  	v18 =	vadd.f32 v13, v14;
	v21 =	vld.idx.msk [tilespmem:v0+s3+$0x4040 ss:$0x1], $0xffff;
	v10 =	vmul.f32 v10, v4  }
0x98: {  	v22 =	vadd.f32 v15, v11;
	v23 =	vld.idx.msk [tilespmem:v0+s3+$0x4050 ss:$0x1], $0xffff  }
0x99: {  	v24 =	vadd.f32 v5, v12;
	v5 =	vadd.f32 v10, v7;
	v25 =	vld.idx.msk [tilespmem:v0+s3+$0x4060 ss:$0x1], $0xffff  }
0x9a: {  	v16 =	vadd.f32 v8, v9;
	v26 =	vld.idx.msk [tilespmem:v1+s3+$0x0 ss:$0x1], $0xffff  }
0x9b: {  	v15 =	vadd.f32 v6, v19;
	v13 =	vld.idx.msk [tilespmem:v1+s3+$0x10 ss:$0x1], $0xffff  }
.Ltmp3:
0x9c: {  	v14 =	vadd.f32 v17, v20;
	v11 =	vld.idx.msk [tilespmem:v1+s3+$0x20 ss:$0x1], $0xffff;
	(pc) =	sbr.rel @p0 .LBB2_9-.Ltmp3, $4  }
0x9d: {  	v8 =	vadd.f32 v18, v21;
	v12 =	vld.idx.msk [tilespmem:v1+s3+$0x30 ss:$0x1], $0xffff  }
0x9e: {  	v6 =	vadd.f32 v22, v23;
	v10 =	vld.idx.msk [tilespmem:v1+s3+$0x40 ss:$0x1], $0xffff  }
0x9f: {  	v5 =	vadd.f32 v5, v25;
	v7 =	vld.idx.msk [tilespmem:v1+s3+$0x50 ss:$0x1], $0xffff  }
0xa0: {  	s6 =	sadd.s32 $0x1000, s6;
	s7 =	sadd.s32 $0x80, s7;
	v17 =	vsub.f32 v24, v26;
	v9 =	vld.idx.msk [tilespmem:v1+s3+$0x60 ss:$0x1], $0xffff  }
0xa1: {  	_ = 	snop  }
0xa2: {  	v0 =	vsub.f32 v16, v13  }
0xa3: {  	v3 =	vsub.f32 v15, v11;
	v1 =	vmul.f32 $1.953125000e-03, v17  }
0xa4: {  	v4 =	vsub.f32 v14, v12;
	v0 =	vmul.f32 $1.953125000e-03, v0  }
0xa5: {  	s2 =	sadd.s32 $0x1, s2;
	v56 =	vmul.f32 $1.953125000e-03, v3;
	v57 =	vsub.f32 v8, v10;
	[tilespmem:v2+s3+$0xFFFFFFC0 ss:$0x1] =	vst.idx.msk $0xffff, v1  }
0xa6: {  	p0 =	sne.s32 s2, $0x10;
	v58 =	vmul.f32 $1.953125000e-03, v4;
	v59 =	vsub.f32 v6, v7;
	[tilespmem:v2+s3+$0xFFFFFFD0 ss:$0x1] =	vst.idx.msk $0xffff, v0  }
.Ltmp4:
0xa7: {  	[tilespmem:v2+s3+$0xFFFFFFE0 ss:$0x1] =	vst.idx.msk $0xffff, v56;
	v60 =	vmul.f32 $1.953125000e-03, v57;
	v61 =	vsub.f32 v5, v9;
	(pc) =	sbr.rel @p0 .LBB2_8-.Ltmp4, $4  }
0xa8: {  	[tilespmem:v2+s3+$0xFFFFFFF0 ss:$0x1] =	vst.idx.msk $0xffff, v58;
	v62 =	vmul.f32 $1.953125000e-03, v59  }
0xa9: {  	[tilespmem:v2+s3+$0x0 ss:$0x1] =	vst.idx.msk $0xffff, v60;
	v63 =	vmul.f32 $1.953125000e-03, v61  }
0xaa: {  	[tilespmem:v2+s3+$0x10 ss:$0x1] =	vst.idx.msk $0xffff, v62  }
0xab: {  	s4 =	sadd.s32 $0x1, s4;
	s0 =	sadd.s32 $0x200, s0;
	s31 =	sadd.s32 $0x1, s31;
	[tilespmem:v2+s3+$0x20 ss:$0x1] =	vst.idx.msk $0xffff, v63  }
0xac: {  	s2 =	simm.s32 $0x0;
	s0 =	rddreg [dreg:$0x4]  }
0xad: {  	[tilespmem:s23], [sflag:$0x1] =	stream.linear.gather [hbm4b:s0+s2], $0x2000, $0x38;
	[tilespmem:$0xF200] =	vst v63  }
0xae: {  	s7 =	rddreg [dreg:$0x5];
	s8 =	simm.s32 $0x0;
	s4 =	simm.s32 $0x0  }
0xaf: {  	[tilespmem:s24], [sflag:$0x2] =	stream.linear.gather [hbm4b:s7+s2], $0x2000, $0x38;
	[tilespmem:$0xF200] =	vst v63  }
0xb0: {  	s0 =	sand.u32 $0x1000, s8;
	s3 =	sand.u32 $0xC00, s2;
	_ =	swait.ge [sflag:s25], $0x2000  }
0xb1: {  	s31 =	sand.u32 $0x380, s4;
	s0 =	sor.u32 s3, s0;
	[sflag:s25] =	ssyncset.done $0x0  }
0xb2: {  	s0 =	sor.u32 s31, s0;
	[sflag:s25] =	ssyncadd.s32 $0xFFFFE000  }
0xb3: {  	v0 =	vld [tilespmem:s0+$0xB270]  }
0xb4: {  	v2 =	vld [tilespmem:s0+$0x9270]  }
0xb5: {  	v3 =	vld [tilespmem:s0+$0xB200]  }
0xb6: {  	v5 =	vld [tilespmem:s0+$0x9200]  }
0xb7: {  	v6 =	vld [tilespmem:s0+$0xB210]  }
0xb8: {  	v7 =	vld [tilespmem:s0+$0x9210]  }
0xb9: {  	v1 =	vld [tilespmem:s0+$0xB220]  }
0xba: {  	v4 =	vld [tilespmem:s0+$0x9220];
	v2 =	vadd.f32 v2, v0  }
0xbb: {  	v5 =	vadd.f32 v5, v3;
	v0 =	vld [tilespmem:s0+$0xB230]  }
0xbc: {  	v3 =	vld [tilespmem:s0+$0x9230];
	[tilespmem:s0+$0xB270] =	vst v2  }
0xbd: {  	s3 =	simm.s32 $0x0;
	[tilespmem:s0+$0xB200] =	vst v5;
	v5 =	vadd.f32 v7, v6;
	v2 =	vld [tilespmem:s0+$0xB240]  }
.LBB2_12:
0xbe: {  	s3 =	sadd.s32 $0x8, s3;
	v6 =	vld [tilespmem:s0+$0x9240]  }
0xbf: {  	s2 =	sadd.s32 $0x400, s2;
	s4 =	sshll.u32 s3, $0x4;
	p0 =	slt.u32 s3, $0x1F8;
	[tilespmem:s0+$0xB210] =	vst v5;
	v1 =	vadd.f32 v4, v1;
	v4 =	vld [tilespmem:s0+$0xB250]  }
0xc0: {  	s5 =	sand.u32 $0xC00, s2;
	s6 =	sshll.u32 s3, $0x2;
	s4 =	sand.u32 $0x1000, s4;
	v5 =	vld [tilespmem:s0+$0x9250]  }
0xc1: {  	s4 =	sor.u32 s5, s4;
	s5 =	sand.u32 $0x380, s6;
	[tilespmem:s0+$0xB220] =	vst v1;
	v0 =	vadd.f32 v3, v0;
	v1 =	vld [tilespmem:s0+$0xB260]  }
0xc2: {  	s4 =	sor.u32 s5, s4;
	v3 =	vld [tilespmem:s0+$0x9260]  }
0xc3: {  	v7 =	vld [tilespmem:s4+$0xB270];
	[tilespmem:s0+$0xB230] =	vst v0;
	v0 =	vadd.f32 v6, v2  }
0xc4: {  	v2 =	vld [tilespmem:s4+$0x9270]  }
0xc5: {  	v6 =	vld [tilespmem:s4+$0xB200];
	[tilespmem:s0+$0xB240] =	vst v0;
	v0 =	vadd.f32 v5, v4  }
0xc6: {  	v5 =	vld [tilespmem:s4+$0x9200]  }
0xc7: {  	v8 =	vld [tilespmem:s4+$0xB210];
	[tilespmem:s0+$0xB250] =	vst v0;
	v0 =	vadd.f32 v3, v1  }
0xc8: {  	v9 =	vld [tilespmem:s4+$0x9210]  }
.Ltmp5:
0xc9: {  	v1 =	vld [tilespmem:s4+$0xB220];
	v2 =	vadd.f32 v2, v7;
	[tilespmem:s0+$0xB260] =	vst v0;
	s0 =	smov.u32 s4;
	(pc) =	sbr.rel @p0 .LBB2_12-.Ltmp5, $4  }
0xca: {  	v4 =	vld [tilespmem:s0+$0x9220]  }
0xcb: {  	v5 =	vadd.f32 v5, v6;
	v0 =	vld [tilespmem:s0+$0xB230];
	[tilespmem:s0+$0xB270] =	vst v2  }
0xcc: {  	v3 =	vld [tilespmem:s0+$0x9230]  }
0xcd: {  	[tilespmem:s0+$0xB200] =	vst v5;
	v5 =	vadd.f32 v9, v8;
	v2 =	vld [tilespmem:s0+$0xB240]  }
0xce: {  	v6 =	vld [tilespmem:s0+$0x9240]  }
0xcf: {  	v7 =	vld [tilespmem:s0+$0xB250]  }
0xd0: {  	v8 =	vld [tilespmem:s0+$0x9250]  }
0xd1: {  	v9 =	vld [tilespmem:s0+$0xB260]  }
0xd2: {  	v10 =	vld [tilespmem:s0+$0x9260]  }
0xd3: {  	v1 =	vadd.f32 v4, v1  }
0xd4: {  	[tilespmem:s0+$0xB210] =	vst v5;
	v0 =	vadd.f32 v3, v0  }
0xd5: {  	[tilespmem:s0+$0xB220] =	vst v1;
	v1 =	vadd.f32 v6, v2  }
0xd6: {  	[tilespmem:s0+$0xB230] =	vst v0;
	v0 =	vadd.f32 v8, v7  }
0xd7: {  	[tilespmem:s0+$0xB240] =	vst v1;
	v1 =	vadd.f32 v10, v9  }
0xd8: {  	[tilespmem:s0+$0xB250] =	vst v0  }
0xd9: {  	[tilespmem:s0+$0xB260] =	vst v1  }
0xda: {  	s2 =	simm.s32 $0x0;
	s0 =	rddreg [dreg:$0x6]  }
0xdb: {  	[hbm4b:s0+s2] =	stream.linear.scatter [tilespmem:s23], [sflag:$0x3], $0x2000, $0x38;
	[tilespmem:$0xF200] =	vst v63  }
0xdc: {  	_ =	swait.ge [sflag:s26], $0x2000  }
0xdd: {  	s8 =	simm.s32 $0x0;
	[sflag:s26] =	ssyncset.done $0x0  }
0xde: {  	s4 =	simm.s32 $0x0;
	s7 =	rddreg [dreg:$0x7];
	[sflag:s26] =	ssyncadd.s32 $0xFFFFE000  }
0xdf: {  	[tilespmem:s23], [sflag:$0x1] =	stream.linear.gather [hbm4b:s7+s2], $0x2000, $0x38;
	[tilespmem:$0xF200] =	vst v63  }
0xe0: {  	s3 =	sand.u32 $0xC00, s2;
	s0 =	sand.u32 $0x1000, s8;
	_ =	swait.ge [sflag:s28], $0x2000  }
0xe1: {  	s31 =	sand.u32 $0x380, s4;
	s0 =	sor.u32 s3, s0;
	[sflag:s28] =	ssyncset.done $0x0  }
0xe2: {  	s0 =	sor.u32 s31, s0;
	[sflag:s28] =	ssyncadd.s32 $0xFFFFE000  }
0xe3: {  	v0 =	vld [tilespmem:s0+$0xD270]  }
0xe4: {  	v2 =	vld [tilespmem:s0+$0x9270]  }
0xe5: {  	v3 =	vld [tilespmem:s0+$0xD200]  }
0xe6: {  	v5 =	vld [tilespmem:s0+$0x9200]  }
0xe7: {  	v6 =	vld [tilespmem:s0+$0xD210]  }
0xe8: {  	v7 =	vld [tilespmem:s0+$0x9210]  }
0xe9: {  	v1 =	vld [tilespmem:s0+$0xD220]  }
0xea: {  	v4 =	vld [tilespmem:s0+$0x9220];
	v2 =	vadd.f32 v2, v0  }
0xeb: {  	v5 =	vadd.f32 v5, v3;
	v0 =	vld [tilespmem:s0+$0xD230]  }
0xec: {  	v3 =	vld [tilespmem:s0+$0x9230];
	[tilespmem:s0+$0xD270] =	vst v2  }
0xed: {  	s3 =	simm.s32 $0x0;
	[tilespmem:s0+$0xD200] =	vst v5;
	v5 =	vadd.f32 v7, v6;
	v2 =	vld [tilespmem:s0+$0xD240]  }
.LBB2_14:
0xee: {  	s3 =	sadd.s32 $0x8, s3;
	v6 =	vld [tilespmem:s0+$0x9240]  }
0xef: {  	s2 =	sadd.s32 $0x400, s2;
	s4 =	sshll.u32 s3, $0x4;
	p0 =	slt.u32 s3, $0x1F8;
	[tilespmem:s0+$0xD210] =	vst v5;
	v1 =	vadd.f32 v4, v1;
	v4 =	vld [tilespmem:s0+$0xD250]  }
0xf0: {  	s5 =	sand.u32 $0xC00, s2;
	s6 =	sshll.u32 s3, $0x2;
	s4 =	sand.u32 $0x1000, s4;
	v5 =	vld [tilespmem:s0+$0x9250]  }
0xf1: {  	s4 =	sor.u32 s5, s4;
	s5 =	sand.u32 $0x380, s6;
	[tilespmem:s0+$0xD220] =	vst v1;
	v0 =	vadd.f32 v3, v0;
	v1 =	vld [tilespmem:s0+$0xD260]  }
0xf2: {  	s4 =	sor.u32 s5, s4;
	v3 =	vld [tilespmem:s0+$0x9260]  }
0xf3: {  	v7 =	vld [tilespmem:s4+$0xD270];
	[tilespmem:s0+$0xD230] =	vst v0;
	v0 =	vadd.f32 v6, v2  }
0xf4: {  	v2 =	vld [tilespmem:s4+$0x9270]  }
0xf5: {  	v6 =	vld [tilespmem:s4+$0xD200];
	[tilespmem:s0+$0xD240] =	vst v0;
	v0 =	vadd.f32 v5, v4  }
0xf6: {  	v5 =	vld [tilespmem:s4+$0x9200]  }
0xf7: {  	v8 =	vld [tilespmem:s4+$0xD210];
	[tilespmem:s0+$0xD250] =	vst v0;
	v0 =	vadd.f32 v3, v1  }
0xf8: {  	v9 =	vld [tilespmem:s4+$0x9210]  }
.Ltmp6:
0xf9: {  	v1 =	vld [tilespmem:s4+$0xD220];
	v2 =	vadd.f32 v2, v7;
	[tilespmem:s0+$0xD260] =	vst v0;
	s0 =	smov.u32 s4;
	(pc) =	sbr.rel @p0 .LBB2_14-.Ltmp6, $4  }
0xfa: {  	v4 =	vld [tilespmem:s0+$0x9220]  }
0xfb: {  	v5 =	vadd.f32 v5, v6;
	v0 =	vld [tilespmem:s0+$0xD230];
	[tilespmem:s0+$0xD270] =	vst v2  }
0xfc: {  	v3 =	vld [tilespmem:s0+$0x9230]  }
0xfd: {  	[tilespmem:s0+$0xD200] =	vst v5;
	v5 =	vadd.f32 v9, v8;
	v2 =	vld [tilespmem:s0+$0xD240]  }
0xfe: {  	v6 =	vld [tilespmem:s0+$0x9240]  }
0xff: {  	v7 =	vld [tilespmem:s0+$0xD250]  }
0x100: {  	v8 =	vld [tilespmem:s0+$0x9250]  }
0x101: {  	v9 =	vld [tilespmem:s0+$0xD260]  }
0x102: {  	v10 =	vld [tilespmem:s0+$0x9260]  }
0x103: {  	v1 =	vadd.f32 v4, v1  }
0x104: {  	[tilespmem:s0+$0xD210] =	vst v5;
	v0 =	vadd.f32 v3, v0  }
0x105: {  	[tilespmem:s0+$0xD220] =	vst v1;
	v1 =	vadd.f32 v6, v2  }
0x106: {  	[tilespmem:s0+$0xD230] =	vst v0;
	v0 =	vadd.f32 v8, v7  }
0x107: {  	[tilespmem:s0+$0xD240] =	vst v1;
	v1 =	vadd.f32 v10, v9  }
0x108: {  	[tilespmem:s0+$0xD250] =	vst v0  }
0x109: {  	s2 =	simm.s32 $0x0;
	[tilespmem:s0+$0xD260] =	vst v1  }
0x10a: {  	[hbm4b:s9+s2] =	stream.linear.scatter [tilespmem:s24], [sflag:$0x4], $0x2000, $0x38;
	[tilespmem:$0xF200] =	vst v63  }
0x10b: {  	_ =	swait.ge [sflag:s29], $0x2000  }
0x10c: {  	[sflag:s29] =	ssyncset.done $0x0  }
0x10d: {  	s8 =	simm.s32 $0x0;
	s4 =	simm.s32 $0x0;
	[sflag:s29] =	ssyncadd.s32 $0xFFFFE000  }
0x10e: {  	[tilespmem:s24], [sflag:$0x2] =	stream.linear.gather [hbm4b:s10+s2], $0x2000, $0x38;
	[tilespmem:$0xF200] =	vst v63  }
0x10f: {  	s3 =	sand.u32 $0xC00, s2;
	s0 =	sand.u32 $0x1000, s8;
	_ =	swait.ge [sflag:s25], $0x2000  }
0x110: {  	s31 =	sand.u32 $0x380, s4;
	s0 =	sor.u32 s3, s0;
	[sflag:s25] =	ssyncset.done $0x0  }
0x111: {  	s0 =	sor.u32 s31, s0;
	[sflag:s25] =	ssyncadd.s32 $0xFFFFE000  }
0x112: {  	v0 =	vld [tilespmem:s0+$0xB270]  }
0x113: {  	v2 =	vld [tilespmem:s0+$0x9270]  }
0x114: {  	v3 =	vld [tilespmem:s0+$0xB200]  }
0x115: {  	v5 =	vld [tilespmem:s0+$0x9200]  }
0x116: {  	v6 =	vld [tilespmem:s0+$0xB210]  }
0x117: {  	v7 =	vld [tilespmem:s0+$0x9210]  }
0x118: {  	v1 =	vld [tilespmem:s0+$0xB220]  }
0x119: {  	v4 =	vld [tilespmem:s0+$0x9220];
	v2 =	vadd.f32 v2, v0  }
0x11a: {  	v5 =	vadd.f32 v5, v3;
	v0 =	vld [tilespmem:s0+$0xB230]  }
0x11b: {  	v3 =	vld [tilespmem:s0+$0x9230];
	[tilespmem:s0+$0xB270] =	vst v2  }
0x11c: {  	s7 =	simm.s32 $0x0;
	s3 =	simm.s32 $0x0;
	[tilespmem:s0+$0xB200] =	vst v5;
	v5 =	vadd.f32 v7, v6;
	v2 =	vld [tilespmem:s0+$0xB240]  }
.LBB2_16:
0x11d: {  	s3 =	sadd.s32 $0x8, s3;
	v6 =	vld [tilespmem:s0+$0x9240]  }
0x11e: {  	s2 =	sadd.s32 $0x400, s2;
	s4 =	sshll.u32 s3, $0x4;
	p0 =	slt.u32 s3, $0x1F8;
	[tilespmem:s0+$0xB210] =	vst v5;
	v1 =	vadd.f32 v4, v1;
	v4 =	vld [tilespmem:s0+$0xB250]  }
0x11f: {  	s5 =	sand.u32 $0xC00, s2;
	s6 =	sshll.u32 s3, $0x2;
	s4 =	sand.u32 $0x1000, s4;
	v5 =	vld [tilespmem:s0+$0x9250]  }
0x120: {  	s4 =	sor.u32 s5, s4;
	s5 =	sand.u32 $0x380, s6;
	[tilespmem:s0+$0xB220] =	vst v1;
	v0 =	vadd.f32 v3, v0;
	v1 =	vld [tilespmem:s0+$0xB260]  }
0x121: {  	s4 =	sor.u32 s5, s4;
	v3 =	vld [tilespmem:s0+$0x9260]  }
0x122: {  	v7 =	vld [tilespmem:s4+$0xB270];
	[tilespmem:s0+$0xB230] =	vst v0;
	v0 =	vadd.f32 v6, v2  }
0x123: {  	v2 =	vld [tilespmem:s4+$0x9270]  }
0x124: {  	v6 =	vld [tilespmem:s4+$0xB200];
	[tilespmem:s0+$0xB240] =	vst v0;
	v0 =	vadd.f32 v5, v4  }
0x125: {  	v5 =	vld [tilespmem:s4+$0x9200]  }
0x126: {  	v8 =	vld [tilespmem:s4+$0xB210];
	[tilespmem:s0+$0xB250] =	vst v0;
	v0 =	vadd.f32 v3, v1  }
0x127: {  	v9 =	vld [tilespmem:s4+$0x9210]  }
.Ltmp7:
0x128: {  	v1 =	vld [tilespmem:s4+$0xB220];
	v2 =	vadd.f32 v2, v7;
	[tilespmem:s0+$0xB260] =	vst v0;
	s0 =	smov.u32 s4;
	(pc) =	sbr.rel @p0 .LBB2_16-.Ltmp7, $4  }
0x129: {  	v4 =	vld [tilespmem:s0+$0x9220]  }
0x12a: {  	v5 =	vadd.f32 v5, v6;
	v0 =	vld [tilespmem:s0+$0xB230];
	[tilespmem:s0+$0xB270] =	vst v2  }
0x12b: {  	v3 =	vld [tilespmem:s0+$0x9230]  }
0x12c: {  	[tilespmem:s0+$0xB200] =	vst v5;
	v5 =	vadd.f32 v9, v8;
	v2 =	vld [tilespmem:s0+$0xB240]  }
0x12d: {  	v6 =	vld [tilespmem:s0+$0x9240]  }
0x12e: {  	v7 =	vld [tilespmem:s0+$0xB250]  }
0x12f: {  	v8 =	vld [tilespmem:s0+$0x9250]  }
0x130: {  	v9 =	vld [tilespmem:s0+$0xB260]  }
0x131: {  	v10 =	vld [tilespmem:s0+$0x9260]  }
0x132: {  	v1 =	vadd.f32 v4, v1  }
0x133: {  	[tilespmem:s0+$0xB210] =	vst v5;
	v0 =	vadd.f32 v3, v0  }
0x134: {  	[tilespmem:s0+$0xB220] =	vst v1;
	v1 =	vadd.f32 v6, v2  }
0x135: {  	[tilespmem:s0+$0xB230] =	vst v0;
	v0 =	vadd.f32 v8, v7  }
0x136: {  	[tilespmem:s0+$0xB240] =	vst v1;
	v1 =	vadd.f32 v10, v9  }
0x137: {  	[tilespmem:s0+$0xB250] =	vst v0  }
0x138: {  	s2 =	simm.s32 $0x0;
	[tilespmem:s0+$0xB260] =	vst v1  }
0x139: {  	[hbm4b:s11+s2] =	stream.linear.scatter [tilespmem:s23], [sflag:$0x3], $0x2000, $0x38;
	[tilespmem:$0xF200] =	vst v63  }
0x13a: {  	_ =	swait.ge [sflag:s26], $0x2000  }
0x13b: {  	[sflag:s26] =	ssyncset.done $0x0  }
0x13c: {  	s8 =	simm.s32 $0x0;
	s4 =	simm.s32 $0x0;
	[sflag:s26] =	ssyncadd.s32 $0xFFFFE000  }
0x13d: {  	[tilespmem:s23], [sflag:$0x1] =	stream.linear.gather [hbm4b:s12+s2], $0x2000, $0x38;
	[tilespmem:$0xF200] =	vst v63  }
0x13e: {  	s3 =	sand.u32 $0xC00, s2;
	s0 =	sand.u32 $0x1000, s8;
	_ =	swait.ge [sflag:s28], $0x2000  }
0x13f: {  	s31 =	sand.u32 $0x380, s4;
	s0 =	sor.u32 s3, s0;
	[sflag:s28] =	ssyncset.done $0x0  }
0x140: {  	s0 =	sor.u32 s31, s0;
	[sflag:s28] =	ssyncadd.s32 $0xFFFFE000  }
0x141: {  	v0 =	vld [tilespmem:s0+$0xD270]  }
0x142: {  	v2 =	vld [tilespmem:s0+$0x9270]  }
0x143: {  	v3 =	vld [tilespmem:s0+$0xD200]  }
0x144: {  	v5 =	vld [tilespmem:s0+$0x9200]  }
0x145: {  	v6 =	vld [tilespmem:s0+$0xD210]  }
0x146: {  	v7 =	vld [tilespmem:s0+$0x9210]  }
0x147: {  	v1 =	vld [tilespmem:s0+$0xD220]  }
0x148: {  	v4 =	vld [tilespmem:s0+$0x9220];
	v2 =	vadd.f32 v2, v0  }
0x149: {  	v5 =	vadd.f32 v5, v3;
	v0 =	vld [tilespmem:s0+$0xD230]  }
0x14a: {  	v3 =	vld [tilespmem:s0+$0x9230];
	[tilespmem:s0+$0xD270] =	vst v2  }
0x14b: {  	s3 =	simm.s32 $0x0;
	[tilespmem:s0+$0xD200] =	vst v5;
	v5 =	vadd.f32 v7, v6;
	v2 =	vld [tilespmem:s0+$0xD240]  }
.LBB2_18:
0x14c: {  	s3 =	sadd.s32 $0x8, s3;
	v6 =	vld [tilespmem:s0+$0x9240]  }
0x14d: {  	s2 =	sadd.s32 $0x400, s2;
	s4 =	sshll.u32 s3, $0x4;
	p0 =	slt.u32 s3, $0x1F8;
	[tilespmem:s0+$0xD210] =	vst v5;
	v1 =	vadd.f32 v4, v1;
	v4 =	vld [tilespmem:s0+$0xD250]  }
0x14e: {  	s5 =	sand.u32 $0xC00, s2;
	s6 =	sshll.u32 s3, $0x2;
	s4 =	sand.u32 $0x1000, s4;
	v5 =	vld [tilespmem:s0+$0x9250]  }
0x14f: {  	s4 =	sor.u32 s5, s4;
	s5 =	sand.u32 $0x380, s6;
	[tilespmem:s0+$0xD220] =	vst v1;
	v0 =	vadd.f32 v3, v0;
	v1 =	vld [tilespmem:s0+$0xD260]  }
0x150: {  	s4 =	sor.u32 s5, s4;
	v3 =	vld [tilespmem:s0+$0x9260]  }
0x151: {  	v7 =	vld [tilespmem:s4+$0xD270];
	[tilespmem:s0+$0xD230] =	vst v0;
	v0 =	vadd.f32 v6, v2  }
0x152: {  	v2 =	vld [tilespmem:s4+$0x9270]  }
0x153: {  	v6 =	vld [tilespmem:s4+$0xD200];
	[tilespmem:s0+$0xD240] =	vst v0;
	v0 =	vadd.f32 v5, v4  }
0x154: {  	v5 =	vld [tilespmem:s4+$0x9200]  }
0x155: {  	v8 =	vld [tilespmem:s4+$0xD210];
	[tilespmem:s0+$0xD250] =	vst v0;
	v0 =	vadd.f32 v3, v1  }
0x156: {  	v9 =	vld [tilespmem:s4+$0x9210]  }
.Ltmp8:
0x157: {  	v1 =	vld [tilespmem:s4+$0xD220];
	v2 =	vadd.f32 v2, v7;
	[tilespmem:s0+$0xD260] =	vst v0;
	s0 =	smov.u32 s4;
	(pc) =	sbr.rel @p0 .LBB2_18-.Ltmp8, $4  }
0x158: {  	v4 =	vld [tilespmem:s0+$0x9220]  }
0x159: {  	v5 =	vadd.f32 v5, v6;
	v0 =	vld [tilespmem:s0+$0xD230];
	[tilespmem:s0+$0xD270] =	vst v2  }
0x15a: {  	v3 =	vld [tilespmem:s0+$0x9230]  }
0x15b: {  	[tilespmem:s0+$0xD200] =	vst v5;
	v5 =	vadd.f32 v9, v8;
	v2 =	vld [tilespmem:s0+$0xD240]  }
0x15c: {  	v6 =	vld [tilespmem:s0+$0x9240]  }
0x15d: {  	v7 =	vld [tilespmem:s0+$0xD250]  }
0x15e: {  	v8 =	vld [tilespmem:s0+$0x9250]  }
0x15f: {  	v9 =	vld [tilespmem:s0+$0xD260]  }
0x160: {  	v10 =	vld [tilespmem:s0+$0x9260]  }
0x161: {  	v1 =	vadd.f32 v4, v1  }
0x162: {  	[tilespmem:s0+$0xD210] =	vst v5;
	v0 =	vadd.f32 v3, v0  }
0x163: {  	[tilespmem:s0+$0xD220] =	vst v1;
	v1 =	vadd.f32 v6, v2  }
0x164: {  	[tilespmem:s0+$0xD230] =	vst v0;
	v0 =	vadd.f32 v8, v7  }
0x165: {  	[tilespmem:s0+$0xD240] =	vst v1;
	v1 =	vadd.f32 v10, v9  }
0x166: {  	[tilespmem:s0+$0xD250] =	vst v0  }
0x167: {  	s2 =	simm.s32 $0x0;
	[tilespmem:s0+$0xD260] =	vst v1  }
0x168: {  	[hbm4b:s13+s2] =	stream.linear.scatter [tilespmem:s24], [sflag:$0x4], $0x2000, $0x38;
	[tilespmem:$0xF200] =	vst v63  }
0x169: {  	_ =	swait.ge [sflag:s29], $0x2000  }
0x16a: {  	[sflag:s29] =	ssyncset.done $0x0  }
0x16b: {  	s8 =	simm.s32 $0x0;
	s4 =	simm.s32 $0x0;
	[sflag:s29] =	ssyncadd.s32 $0xFFFFE000  }
0x16c: {  	[tilespmem:s24], [sflag:$0x2] =	stream.linear.gather [hbm4b:s14+s2], $0x2000, $0x38;
	[tilespmem:$0xF200] =	vst v63  }
0x16d: {  	s3 =	sand.u32 $0xC00, s2;
	s0 =	sand.u32 $0x1000, s8;
	_ =	swait.ge [sflag:s25], $0x2000  }
0x16e: {  	s31 =	sand.u32 $0x380, s4;
	s0 =	sor.u32 s3, s0;
	[sflag:s25] =	ssyncset.done $0x0  }
0x16f: {  	s0 =	sor.u32 s31, s0;
	[sflag:s25] =	ssyncadd.s32 $0xFFFFE000  }
0x170: {  	v0 =	vld [tilespmem:s0+$0xB270]  }
0x171: {  	v2 =	vld [tilespmem:s0+$0x9270]  }
0x172: {  	v3 =	vld [tilespmem:s0+$0xB200]  }
0x173: {  	v5 =	vld [tilespmem:s0+$0x9200]  }
0x174: {  	v6 =	vld [tilespmem:s0+$0xB210]  }
0x175: {  	v7 =	vld [tilespmem:s0+$0x9210]  }
0x176: {  	v1 =	vld [tilespmem:s0+$0xB220]  }
0x177: {  	v4 =	vld [tilespmem:s0+$0x9220];
	v2 =	vadd.f32 v2, v0  }
0x178: {  	v5 =	vadd.f32 v5, v3;
	v0 =	vld [tilespmem:s0+$0xB230]  }
0x179: {  	v3 =	vld [tilespmem:s0+$0x9230];
	[tilespmem:s0+$0xB270] =	vst v2  }
0x17a: {  	s3 =	simm.s32 $0x0;
	[tilespmem:s0+$0xB200] =	vst v5;
	v5 =	vadd.f32 v7, v6;
	v2 =	vld [tilespmem:s0+$0xB240]  }
.LBB2_20:
0x17b: {  	s3 =	sadd.s32 $0x8, s3;
	v6 =	vld [tilespmem:s0+$0x9240]  }
0x17c: {  	s2 =	sadd.s32 $0x400, s2;
	s4 =	sshll.u32 s3, $0x4;
	p0 =	slt.u32 s3, $0x1F8;
	[tilespmem:s0+$0xB210] =	vst v5;
	v1 =	vadd.f32 v4, v1;
	v4 =	vld [tilespmem:s0+$0xB250]  }
0x17d: {  	s5 =	sand.u32 $0xC00, s2;
	s6 =	sshll.u32 s3, $0x2;
	s4 =	sand.u32 $0x1000, s4;
	v5 =	vld [tilespmem:s0+$0x9250]  }
0x17e: {  	s4 =	sor.u32 s5, s4;
	s5 =	sand.u32 $0x380, s6;
	[tilespmem:s0+$0xB220] =	vst v1;
	v0 =	vadd.f32 v3, v0;
	v1 =	vld [tilespmem:s0+$0xB260]  }
0x17f: {  	s4 =	sor.u32 s5, s4;
	v3 =	vld [tilespmem:s0+$0x9260]  }
0x180: {  	v7 =	vld [tilespmem:s4+$0xB270];
	[tilespmem:s0+$0xB230] =	vst v0;
	v0 =	vadd.f32 v6, v2  }
0x181: {  	v2 =	vld [tilespmem:s4+$0x9270]  }
0x182: {  	v6 =	vld [tilespmem:s4+$0xB200];
	[tilespmem:s0+$0xB240] =	vst v0;
	v0 =	vadd.f32 v5, v4  }
0x183: {  	v5 =	vld [tilespmem:s4+$0x9200]  }
0x184: {  	v8 =	vld [tilespmem:s4+$0xB210];
	[tilespmem:s0+$0xB250] =	vst v0;
	v0 =	vadd.f32 v3, v1  }
0x185: {  	v9 =	vld [tilespmem:s4+$0x9210]  }
.Ltmp9:
0x186: {  	v1 =	vld [tilespmem:s4+$0xB220];
	v2 =	vadd.f32 v2, v7;
	[tilespmem:s0+$0xB260] =	vst v0;
	s0 =	smov.u32 s4;
	(pc) =	sbr.rel @p0 .LBB2_20-.Ltmp9, $4  }
0x187: {  	v4 =	vld [tilespmem:s0+$0x9220]  }
0x188: {  	v5 =	vadd.f32 v5, v6;
	v0 =	vld [tilespmem:s0+$0xB230];
	[tilespmem:s0+$0xB270] =	vst v2  }
0x189: {  	v3 =	vld [tilespmem:s0+$0x9230]  }
0x18a: {  	[tilespmem:s0+$0xB200] =	vst v5;
	v5 =	vadd.f32 v9, v8;
	v2 =	vld [tilespmem:s0+$0xB240]  }
0x18b: {  	v6 =	vld [tilespmem:s0+$0x9240]  }
0x18c: {  	v7 =	vld [tilespmem:s0+$0xB250]  }
0x18d: {  	v8 =	vld [tilespmem:s0+$0x9250]  }
0x18e: {  	v9 =	vld [tilespmem:s0+$0xB260]  }
0x18f: {  	v10 =	vld [tilespmem:s0+$0x9260]  }
0x190: {  	v1 =	vadd.f32 v4, v1  }
0x191: {  	[tilespmem:s0+$0xB210] =	vst v5;
	v0 =	vadd.f32 v3, v0  }
0x192: {  	[tilespmem:s0+$0xB220] =	vst v1;
	v1 =	vadd.f32 v6, v2  }
0x193: {  	[tilespmem:s0+$0xB230] =	vst v0;
	v0 =	vadd.f32 v8, v7  }
0x194: {  	[tilespmem:s0+$0xB240] =	vst v1;
	v1 =	vadd.f32 v10, v9  }
0x195: {  	[tilespmem:s0+$0xB250] =	vst v0  }
0x196: {  	s2 =	simm.s32 $0x0;
	[tilespmem:s0+$0xB260] =	vst v1  }
0x197: {  	[hbm4b:s15+s2] =	stream.linear.scatter [tilespmem:s23], [sflag:$0x3], $0x2000, $0x38;
	[tilespmem:$0xF200] =	vst v63  }
0x198: {  	_ =	swait.ge [sflag:s26], $0x2000  }
0x199: {  	[sflag:s26] =	ssyncset.done $0x0  }
0x19a: {  	s8 =	simm.s32 $0x0;
	s4 =	simm.s32 $0x0;
	[sflag:s26] =	ssyncadd.s32 $0xFFFFE000  }
0x19b: {  	[tilespmem:s23], [sflag:$0x1] =	stream.linear.gather [hbm4b:s16+s2], $0x2000, $0x38;
	[tilespmem:$0xF200] =	vst v63  }
0x19c: {  	s3 =	sand.u32 $0xC00, s2;
	s0 =	sand.u32 $0x1000, s8;
	_ =	swait.ge [sflag:s28], $0x2000  }
0x19d: {  	s31 =	sand.u32 $0x380, s4;
	s0 =	sor.u32 s3, s0;
	[sflag:s28] =	ssyncset.done $0x0  }
0x19e: {  	s0 =	sor.u32 s31, s0;
	[sflag:s28] =	ssyncadd.s32 $0xFFFFE000  }
0x19f: {  	v0 =	vld [tilespmem:s0+$0xD270]  }
0x1a0: {  	v2 =	vld [tilespmem:s0+$0x9270]  }
0x1a1: {  	v3 =	vld [tilespmem:s0+$0xD200]  }
0x1a2: {  	v5 =	vld [tilespmem:s0+$0x9200]  }
0x1a3: {  	v6 =	vld [tilespmem:s0+$0xD210]  }
0x1a4: {  	v7 =	vld [tilespmem:s0+$0x9210]  }
0x1a5: {  	v1 =	vld [tilespmem:s0+$0xD220]  }
0x1a6: {  	v4 =	vld [tilespmem:s0+$0x9220];
	v2 =	vadd.f32 v2, v0  }
0x1a7: {  	v5 =	vadd.f32 v5, v3;
	v0 =	vld [tilespmem:s0+$0xD230]  }
0x1a8: {  	v3 =	vld [tilespmem:s0+$0x9230];
	[tilespmem:s0+$0xD270] =	vst v2  }
0x1a9: {  	s3 =	simm.s32 $0x0;
	[tilespmem:s0+$0xD200] =	vst v5;
	v5 =	vadd.f32 v7, v6;
	v2 =	vld [tilespmem:s0+$0xD240]  }
.LBB2_22:
0x1aa: {  	s3 =	sadd.s32 $0x8, s3;
	v6 =	vld [tilespmem:s0+$0x9240]  }
0x1ab: {  	s2 =	sadd.s32 $0x400, s2;
	s4 =	sshll.u32 s3, $0x4;
	p0 =	slt.u32 s3, $0x1F8;
	[tilespmem:s0+$0xD210] =	vst v5;
	v1 =	vadd.f32 v4, v1;
	v4 =	vld [tilespmem:s0+$0xD250]  }
0x1ac: {  	s5 =	sand.u32 $0xC00, s2;
	s6 =	sshll.u32 s3, $0x2;
	s4 =	sand.u32 $0x1000, s4;
	v5 =	vld [tilespmem:s0+$0x9250]  }
0x1ad: {  	s4 =	sor.u32 s5, s4;
	s5 =	sand.u32 $0x380, s6;
	[tilespmem:s0+$0xD220] =	vst v1;
	v0 =	vadd.f32 v3, v0;
	v1 =	vld [tilespmem:s0+$0xD260]  }
0x1ae: {  	s4 =	sor.u32 s5, s4;
	v3 =	vld [tilespmem:s0+$0x9260]  }
0x1af: {  	v7 =	vld [tilespmem:s4+$0xD270];
	[tilespmem:s0+$0xD230] =	vst v0;
	v0 =	vadd.f32 v6, v2  }
0x1b0: {  	v2 =	vld [tilespmem:s4+$0x9270]  }
0x1b1: {  	v6 =	vld [tilespmem:s4+$0xD200];
	[tilespmem:s0+$0xD240] =	vst v0;
	v0 =	vadd.f32 v5, v4  }
0x1b2: {  	v5 =	vld [tilespmem:s4+$0x9200]  }
0x1b3: {  	v8 =	vld [tilespmem:s4+$0xD210];
	[tilespmem:s0+$0xD250] =	vst v0;
	v0 =	vadd.f32 v3, v1  }
0x1b4: {  	v9 =	vld [tilespmem:s4+$0x9210]  }
.Ltmp10:
0x1b5: {  	v1 =	vld [tilespmem:s4+$0xD220];
	v2 =	vadd.f32 v2, v7;
	[tilespmem:s0+$0xD260] =	vst v0;
	s0 =	smov.u32 s4;
	(pc) =	sbr.rel @p0 .LBB2_22-.Ltmp10, $4  }
0x1b6: {  	v4 =	vld [tilespmem:s0+$0x9220]  }
0x1b7: {  	v5 =	vadd.f32 v5, v6;
	v0 =	vld [tilespmem:s0+$0xD230];
	[tilespmem:s0+$0xD270] =	vst v2  }
0x1b8: {  	v3 =	vld [tilespmem:s0+$0x9230]  }
0x1b9: {  	[tilespmem:s0+$0xD200] =	vst v5;
	v5 =	vadd.f32 v9, v8;
	v2 =	vld [tilespmem:s0+$0xD240]  }
0x1ba: {  	v6 =	vld [tilespmem:s0+$0x9240]  }
0x1bb: {  	v7 =	vld [tilespmem:s0+$0xD250]  }
0x1bc: {  	v8 =	vld [tilespmem:s0+$0x9250]  }
0x1bd: {  	v9 =	vld [tilespmem:s0+$0xD260]  }
0x1be: {  	v10 =	vld [tilespmem:s0+$0x9260]  }
0x1bf: {  	v1 =	vadd.f32 v4, v1  }
0x1c0: {  	[tilespmem:s0+$0xD210] =	vst v5;
	v0 =	vadd.f32 v3, v0  }
0x1c1: {  	[tilespmem:s0+$0xD220] =	vst v1;
	v1 =	vadd.f32 v6, v2  }
0x1c2: {  	[tilespmem:s0+$0xD230] =	vst v0;
	v0 =	vadd.f32 v8, v7  }
0x1c3: {  	[tilespmem:s0+$0xD240] =	vst v1;
	v1 =	vadd.f32 v10, v9  }
0x1c4: {  	[tilespmem:s0+$0xD250] =	vst v0  }
0x1c5: {  	s2 =	simm.s32 $0x0;
	[tilespmem:s0+$0xD260] =	vst v1  }
0x1c6: {  	[hbm4b:s17+s2] =	stream.linear.scatter [tilespmem:s24], [sflag:$0x4], $0x2000, $0x38;
	[tilespmem:$0xF200] =	vst v63  }
0x1c7: {  	_ =	swait.ge [sflag:s29], $0x2000  }
0x1c8: {  	[sflag:s29] =	ssyncset.done $0x0  }
0x1c9: {  	s8 =	simm.s32 $0x0;
	s4 =	simm.s32 $0x0;
	[sflag:s29] =	ssyncadd.s32 $0xFFFFE000  }
0x1ca: {  	[tilespmem:s24], [sflag:$0x2] =	stream.linear.gather [hbm4b:s18+s2], $0x2000, $0x38;
	[tilespmem:$0xF200] =	vst v63  }
0x1cb: {  	s3 =	sand.u32 $0xC00, s2;
	s0 =	sand.u32 $0x1000, s8;
	_ =	swait.ge [sflag:s25], $0x2000  }
0x1cc: {  	s31 =	sand.u32 $0x380, s4;
	s0 =	sor.u32 s3, s0;
	[sflag:s25] =	ssyncset.done $0x0  }
0x1cd: {  	s0 =	sor.u32 s31, s0;
	[sflag:s25] =	ssyncadd.s32 $0xFFFFE000  }
0x1ce: {  	v0 =	vld [tilespmem:s0+$0xB270]  }
0x1cf: {  	v2 =	vld [tilespmem:s0+$0x9270]  }
0x1d0: {  	v3 =	vld [tilespmem:s0+$0xB200]  }
0x1d1: {  	v5 =	vld [tilespmem:s0+$0x9200]  }
0x1d2: {  	v6 =	vld [tilespmem:s0+$0xB210]  }
0x1d3: {  	v7 =	vld [tilespmem:s0+$0x9210]  }
0x1d4: {  	v1 =	vld [tilespmem:s0+$0xB220]  }
0x1d5: {  	v4 =	vld [tilespmem:s0+$0x9220];
	v2 =	vadd.f32 v2, v0  }
0x1d6: {  	v5 =	vadd.f32 v5, v3;
	v0 =	vld [tilespmem:s0+$0xB230]  }
0x1d7: {  	v3 =	vld [tilespmem:s0+$0x9230];
	[tilespmem:s0+$0xB270] =	vst v2  }
0x1d8: {  	s3 =	simm.s32 $0x0;
	[tilespmem:s0+$0xB200] =	vst v5;
	v5 =	vadd.f32 v7, v6;
	v2 =	vld [tilespmem:s0+$0xB240]  }
.LBB2_24:
0x1d9: {  	s3 =	sadd.s32 $0x8, s3;
	v6 =	vld [tilespmem:s0+$0x9240]  }
0x1da: {  	s2 =	sadd.s32 $0x400, s2;
	s4 =	sshll.u32 s3, $0x4;
	p0 =	slt.u32 s3, $0x1F8;
	[tilespmem:s0+$0xB210] =	vst v5;
	v1 =	vadd.f32 v4, v1;
	v4 =	vld [tilespmem:s0+$0xB250]  }
0x1db: {  	s5 =	sand.u32 $0xC00, s2;
	s6 =	sshll.u32 s3, $0x2;
	s4 =	sand.u32 $0x1000, s4;
	v5 =	vld [tilespmem:s0+$0x9250]  }
0x1dc: {  	s4 =	sor.u32 s5, s4;
	s5 =	sand.u32 $0x380, s6;
	[tilespmem:s0+$0xB220] =	vst v1;
	v0 =	vadd.f32 v3, v0;
	v1 =	vld [tilespmem:s0+$0xB260]  }
0x1dd: {  	s4 =	sor.u32 s5, s4;
	v3 =	vld [tilespmem:s0+$0x9260]  }
0x1de: {  	v7 =	vld [tilespmem:s4+$0xB270];
	[tilespmem:s0+$0xB230] =	vst v0;
	v0 =	vadd.f32 v6, v2  }
0x1df: {  	v2 =	vld [tilespmem:s4+$0x9270]  }
0x1e0: {  	v6 =	vld [tilespmem:s4+$0xB200];
	[tilespmem:s0+$0xB240] =	vst v0;
	v0 =	vadd.f32 v5, v4  }
0x1e1: {  	v5 =	vld [tilespmem:s4+$0x9200]  }
0x1e2: {  	v8 =	vld [tilespmem:s4+$0xB210];
	[tilespmem:s0+$0xB250] =	vst v0;
	v0 =	vadd.f32 v3, v1  }
0x1e3: {  	v9 =	vld [tilespmem:s4+$0x9210]  }
.Ltmp11:
0x1e4: {  	v1 =	vld [tilespmem:s4+$0xB220];
	v2 =	vadd.f32 v2, v7;
	[tilespmem:s0+$0xB260] =	vst v0;
	s0 =	smov.u32 s4;
	(pc) =	sbr.rel @p0 .LBB2_24-.Ltmp11, $4  }
0x1e5: {  	v4 =	vld [tilespmem:s0+$0x9220]  }
0x1e6: {  	v5 =	vadd.f32 v5, v6;
	v0 =	vld [tilespmem:s0+$0xB230];
	[tilespmem:s0+$0xB270] =	vst v2  }
0x1e7: {  	v3 =	vld [tilespmem:s0+$0x9230]  }
0x1e8: {  	[tilespmem:s0+$0xB200] =	vst v5;
	v5 =	vadd.f32 v9, v8;
	v2 =	vld [tilespmem:s0+$0xB240]  }
0x1e9: {  	v6 =	vld [tilespmem:s0+$0x9240]  }
0x1ea: {  	v7 =	vld [tilespmem:s0+$0xB250]  }
0x1eb: {  	v8 =	vld [tilespmem:s0+$0x9250]  }
0x1ec: {  	v9 =	vld [tilespmem:s0+$0xB260]  }
0x1ed: {  	v10 =	vld [tilespmem:s0+$0x9260]  }
0x1ee: {  	v1 =	vadd.f32 v4, v1  }
0x1ef: {  	[tilespmem:s0+$0xB210] =	vst v5;
	v0 =	vadd.f32 v3, v0  }
0x1f0: {  	[tilespmem:s0+$0xB220] =	vst v1;
	v1 =	vadd.f32 v6, v2  }
0x1f1: {  	[tilespmem:s0+$0xB230] =	vst v0;
	v0 =	vadd.f32 v8, v7  }
0x1f2: {  	[tilespmem:s0+$0xB240] =	vst v1;
	v1 =	vadd.f32 v10, v9  }
0x1f3: {  	[tilespmem:s0+$0xB250] =	vst v0  }
0x1f4: {  	s2 =	simm.s32 $0x0;
	s8 =	simm.s32 $0x0;
	s4 =	simm.s32 $0x0;
	[tilespmem:s0+$0xB260] =	vst v1  }
0x1f5: {  	[hbm4b:s19+s2] =	stream.linear.scatter [tilespmem:s23], [sflag:$0x3], $0x2000, $0x38;
	[tilespmem:$0xF200] =	vst v63  }
0x1f6: {  	s3 =	sand.u32 $0xC00, s2;
	s0 =	sand.u32 $0x1000, s8;
	_ =	swait.ge [sflag:s28], $0x2000  }
0x1f7: {  	s31 =	sand.u32 $0x380, s4;
	s0 =	sor.u32 s3, s0;
	[sflag:s28] =	ssyncset.done $0x0  }
0x1f8: {  	s0 =	sor.u32 s31, s0;
	[sflag:s28] =	ssyncadd.s32 $0xFFFFE000  }
0x1f9: {  	v0 =	vld [tilespmem:s0+$0xD270]  }
0x1fa: {  	v2 =	vld [tilespmem:s0+$0x9270]  }
0x1fb: {  	v3 =	vld [tilespmem:s0+$0xD200]  }
0x1fc: {  	v5 =	vld [tilespmem:s0+$0x9200]  }
0x1fd: {  	v6 =	vld [tilespmem:s0+$0xD210]  }
0x1fe: {  	v7 =	vld [tilespmem:s0+$0x9210]  }
0x1ff: {  	v1 =	vld [tilespmem:s0+$0xD220]  }
0x200: {  	v4 =	vld [tilespmem:s0+$0x9220];
	v2 =	vadd.f32 v2, v0  }
0x201: {  	v5 =	vadd.f32 v5, v3;
	v0 =	vld [tilespmem:s0+$0xD230]  }
0x202: {  	v3 =	vld [tilespmem:s0+$0x9230];
	[tilespmem:s0+$0xD270] =	vst v2  }
0x203: {  	s3 =	simm.s32 $0x0;
	[tilespmem:s0+$0xD200] =	vst v5;
	v5 =	vadd.f32 v7, v6;
	v2 =	vld [tilespmem:s0+$0xD240]  }
.LBB2_26:
0x204: {  	s3 =	sadd.s32 $0x8, s3;
	v6 =	vld [tilespmem:s0+$0x9240]  }
0x205: {  	s2 =	sadd.s32 $0x400, s2;
	s4 =	sshll.u32 s3, $0x4;
	p0 =	slt.u32 s3, $0x1F8;
	[tilespmem:s0+$0xD210] =	vst v5;
	v1 =	vadd.f32 v4, v1;
	v4 =	vld [tilespmem:s0+$0xD250]  }
0x206: {  	s5 =	sand.u32 $0xC00, s2;
	s6 =	sshll.u32 s3, $0x2;
	s4 =	sand.u32 $0x1000, s4;
	v5 =	vld [tilespmem:s0+$0x9250]  }
0x207: {  	s4 =	sor.u32 s5, s4;
	s5 =	sand.u32 $0x380, s6;
	[tilespmem:s0+$0xD220] =	vst v1;
	v0 =	vadd.f32 v3, v0;
	v1 =	vld [tilespmem:s0+$0xD260]  }
0x208: {  	s4 =	sor.u32 s5, s4;
	v3 =	vld [tilespmem:s0+$0x9260]  }
0x209: {  	v7 =	vld [tilespmem:s4+$0xD270];
	[tilespmem:s0+$0xD230] =	vst v0;
	v0 =	vadd.f32 v6, v2  }
0x20a: {  	v2 =	vld [tilespmem:s4+$0x9270]  }
0x20b: {  	v6 =	vld [tilespmem:s4+$0xD200];
	[tilespmem:s0+$0xD240] =	vst v0;
	v0 =	vadd.f32 v5, v4  }
0x20c: {  	v5 =	vld [tilespmem:s4+$0x9200]  }
0x20d: {  	v8 =	vld [tilespmem:s4+$0xD210];
	[tilespmem:s0+$0xD250] =	vst v0;
	v0 =	vadd.f32 v3, v1  }
0x20e: {  	v9 =	vld [tilespmem:s4+$0x9210]  }
.Ltmp12:
0x20f: {  	v1 =	vld [tilespmem:s4+$0xD220];
	v2 =	vadd.f32 v2, v7;
	[tilespmem:s0+$0xD260] =	vst v0;
	s0 =	smov.u32 s4;
	(pc) =	sbr.rel @p0 .LBB2_26-.Ltmp12, $4  }
0x210: {  	v4 =	vld [tilespmem:s0+$0x9220]  }
0x211: {  	v5 =	vadd.f32 v5, v6;
	v0 =	vld [tilespmem:s0+$0xD230];
	[tilespmem:s0+$0xD270] =	vst v2  }
0x212: {  	v3 =	vld [tilespmem:s0+$0x9230]  }
0x213: {  	[tilespmem:s0+$0xD200] =	vst v5;
	v5 =	vadd.f32 v9, v8;
	v2 =	vld [tilespmem:s0+$0xD240]  }
0x214: {  	v6 =	vld [tilespmem:s0+$0x9240]  }
0x215: {  	v7 =	vld [tilespmem:s0+$0xD250]  }
0x216: {  	v8 =	vld [tilespmem:s0+$0x9250]  }
0x217: {  	v9 =	vld [tilespmem:s0+$0xD260]  }
0x218: {  	v10 =	vld [tilespmem:s0+$0x9260]  }
0x219: {  	v1 =	vadd.f32 v4, v1  }
0x21a: {  	[tilespmem:s0+$0xD210] =	vst v5;
	v0 =	vadd.f32 v3, v0  }
0x21b: {  	[tilespmem:s0+$0xD220] =	vst v1;
	v61 =	vadd.f32 v6, v2  }
0x21c: {  	[tilespmem:s0+$0xD230] =	vst v0;
	v62 =	vadd.f32 v8, v7  }
0x21d: {  	s30 =	sadd.s32 $0x1, s30;
	v63 =	vadd.f32 v10, v9;
	[tilespmem:s0+$0xD240] =	vst v61  }
0x21e: {  	p0 =	sne.s32 s30, s21;
	[tilespmem:s0+$0xD250] =	vst v62  }
.Ltmp13:
0x21f: {  	[tilespmem:s0+$0xD260] =	vst v63;
	(pc) =	sbr.rel @p0 .LBB2_1-.Ltmp13, $4  }
0x220: {  	[hbm4b:s20+s7] =	stream.linear.scatter [tilespmem:s24], [sflag:$0x4], $0x2000, $0x38;
	[tilespmem:$0xF200] =	vst v63  }
0x221: {  	_ =	swait.ge [sflag:s29], $0x2000  }
0x222: {  	[sflag:s29] =	ssyncset.done $0x0  }
0x223: {  	[sflag:s29] =	ssyncadd.s32 $0xFFFFE000  }
0x224: {  	_ =	sfence.sel $0x180000  }
0x225: {  	[bflag:$0x0] =	sbarrier.arrive $0xFFFF  }
0x226: {  	_ =	strace $0x90000047  }
0x227: {  	s0 =	stileid.u32;
	[bflag:$0x2] =	sbarrier.arrive $0xFFFF  }
0x228: {  	p0 =	sne.s32 s0, $0x0;
	s0 =	rddreg [dreg:$0x3]  }
0x229: {  	s0 =	sadd.s32 @!p0 $0x100000, s0  }
0x22a: {  	[sflag:s0] =	ssyncadd.tile.s32 @!p0 $0x1;
	_ =	shalt  }
.Lfunc_end2:
_tile_overlayer_lowered:
.L_overlay_start_2:
0x22b: {  	(tag) =	ssettag $0x2  }
0x22c: {  	s0 =	rddreg [dreg:$0x0];
	s2 =	stileid.u32  }
0x22d: {  	s1 =	rddreg [dreg:$0x1];
	p0 =	sne.s32 s2, $0x0  }
0x22e: {  	s3 =	rddreg [dreg:$0x2];
	[bflag:$0x3] =	sbarrier.arrive $0xFFFF;
	s2 =	simm.s32 @!p0 $0x1C05  }
0x22f: {  	[timem:s3], [sflag:s2] =	dma.local @!p0 [hbm:s0], s1  }
0x230: {  	s0 =	simm.s32 @!p0 $0x5  }
0x231: {  	_ =	swait.ge @!p0 [sflag:s0], s1  }
0x232: {  	s1 =	ssub.s32 @!p0 $0x0, s1;
	[sflag:s0] =	ssyncset.done @!p0 $0x0  }
0x233: {  	[sflag:s0] =	ssyncadd.s32 @!p0 s1  }
0x234: {  	[bflag:$0x3] =	sbarrier.arrive $0xFFFF  }
0x235: {  	_ =	shalt  }

</sc_bundles>
